<compile_context>
chip_gen: v7x
topology: tpu7x:2x2x1
jax: 0.10.2.dev20260603
libtpu: 0.0.44.dev20260713+nightly
codegen_flags: <defaults>
</compile_context>

<pallas_src>
import functools

import jax
import jax.numpy as jnp
from jax import lax
from jax.experimental import pallas as pl
from jax.experimental.pallas import tpu as pltpu
from jax.experimental.pallas import tpu_sc as plsc

N = 10000
E = 320000
D = 128
G = 16

NC = 2
NS = 16
L = 16
NW = NC * NS

CHUNK = 128
CPW0 = 104
CPW1 = 56
TOT_CH = NS * (CPW0 + CPW1)
IDX_BUF = 56
STAGE = ((0, 56), (56, 48))
ALLOC_CH = TOT_CH + STAGE[-1][0] + STAGE[-1][1]
E_PAD = ALLOC_CH * CHUNK
N_PAD = 10240
DUMMY = 10000
RPT = N_PAD // NS
ROW_CH = ((0, 128), (128, 128), (256, 128), (384, 128), (512, 128))

ROWS_TC = 1000


def _leaky(x):
    return jnp.where(x >= 0, x, 0.01 * x)


def _l2norm(x):
    n = jnp.sqrt(jnp.sum(x * x, axis=-1, keepdims=True))
    return x / jnp.maximum(n, 1e-12)


def _norm_body(x_ref, o_ref):
    x = x_ref[...]
    s = jnp.sum(x, axis=1, keepdims=True)
    r = jnp.where(s != 0, 1.0 / s, 0.0)
    o_ref[...] = x * r


def _normalize(x):
    return pl.pallas_call(
        _norm_body,
        out_shape=jax.ShapeDtypeStruct((N, D), jnp.float32),
        grid=(N // ROWS_TC,),
        in_specs=[pl.BlockSpec((ROWS_TC, D), lambda i: (i, 0))],
        out_specs=pl.BlockSpec((ROWS_TC, D), lambda i: (i, 0)),
    )(x)


def _sc_body(xn_hbm, src_hbm, dst_hbm, agg_out, cnt_out,
             src_v, dst_v, rows_a, cnt_v, agg_sh, gs_a):
    c = lax.axis_index("c")
    s = lax.axis_index("s")
    wid = c * NS + s

    z16 = jnp.zeros((L,), jnp.float32)

    def _zc(i, carry):
        cnt_v[pl.ds(i * L, L)] = z16
        return carry
    lax.fori_loop(0, N_PAD // L, _zc, 0)

    def _zr(i, carry):
        rows_a[i // (D // L), pl.ds((i % (D // L)) * L, L)] = z16
        return carry
    lax.fori_loop(0, CHUNK * (D // L), _zr, 0)
    for off, sz in ROW_CH:
        pltpu.sync_copy(rows_a.at[pl.ds(0, sz)],
                        agg_sh.at[pl.ds(s * RPT + off, sz)])
    plsc.subcore_barrier()

    ones16 = jnp.full((L,), 1.0, jnp.float32)

    base = jnp.where(c == 0, s * CPW0, NS * CPW0 + s * CPW1)
    cpw_c = jnp.where(c == 0, CPW0, CPW1)

    for r0, rl in STAGE:
        pltpu.sync_copy(src_hbm.at[pl.ds(base + r0, rl)],
                        src_v.at[pl.ds(0, rl)])
        pltpu.sync_copy(dst_hbm.at[pl.ds(base + r0, rl)],
                        dst_v.at[pl.ds(0, rl)])

        def _chunk(j, carry):
            pltpu.async_copy(xn_hbm.at[src_v.at[j]], rows_a, gs_a).wait()

            def _h(i, cc):
                dvec = dst_v[j, pl.ds(i * L, L)]
                plsc.addupdate_scatter(cnt_v, [dvec], ones16)
                return cc
            lax.fori_loop(0, CHUNK // L, _h, 0)
            pltpu.sync_copy(rows_a, agg_sh.at[dst_v.at[j]], add=True)
            return carry

        trip = jnp.clip(cpw_c - r0, 0, rl)
        lax.fori_loop(0, trip, _chunk, 0)

    plsc.subcore_barrier()

    for off, sz in ROW_CH:
        pltpu.sync_copy(agg_sh.at[pl.ds(s * RPT + off, sz)],
                        agg_out.at[c, pl.ds(s * RPT + off, sz)])
    pltpu.sync_copy(cnt_v, cnt_out.at[wid])


def _sc_aggregate(xn, src_arr, dst_arr):
    mesh = plsc.VectorSubcoreMesh(core_axis_name="c", subcore_axis_name="s")
    k = functools.partial(
        pl.kernel,
        out_type=(
            jax.ShapeDtypeStruct((NC, N_PAD, D), jnp.float32),
            jax.ShapeDtypeStruct((NW, N_PAD), jnp.float32),
        ),
        mesh=mesh,
        compiler_params=pltpu.CompilerParams(needs_layout_passes=False),
        scratch_types=[
            pltpu.VMEM((IDX_BUF, CHUNK), jnp.int32),
            pltpu.VMEM((IDX_BUF, CHUNK), jnp.int32),
            pltpu.VMEM((CHUNK, D), jnp.float32),
            pltpu.VMEM((N_PAD,), jnp.float32),
            pltpu.VMEM_SHARED((N_PAD, D), jnp.float32),
            pltpu.SemaphoreType.DMA,
        ],
    )(_sc_body)
    return k(xn, src_arr, dst_arr)


def _dense_body(xn_ref, a0_ref, a1_ref, cnt_ref, b_ref,
                w1l_ref, w1r_ref, f1w_ref, f1b_ref, f3w_ref, f3b_ref,
                o_ref, acc_ref):
    i = pl.program_id(0)

    @pl.when(i == 0)
    def _():
        acc_ref[...] = jnp.zeros_like(acc_ref)

    xn = xn_ref[...]
    cnt = jnp.sum(cnt_ref[...], axis=1)
    agg = (a0_ref[...] + a1_ref[...]) / jnp.maximum(cnt, 1.0)[:, None]

    dn = (((1,), (1,)), ((), ()))
    h = (lax.dot_general(agg, w1l_ref[...], dn,
                         preferred_element_type=jnp.float32)
         + lax.dot_general(xn, w1r_ref[...], dn,
                           preferred_element_type=jnp.float32))
    h = _leaky(_l2norm(h))

    z = (lax.dot_general(h, f1w_ref[:, :D], dn,
                         preferred_element_type=jnp.float32)
         + lax.dot_general(xn, f1w_ref[:, D:], dn,
                           preferred_element_type=jnp.float32)
         + f1b_ref[...])
    z = _leaky(z)

    seg = b_ref[0, 0, :]
    oh = (lax.broadcasted_iota(jnp.int32, (G, ROWS_TC), 0)
          == seg[None, :]).astype(jnp.float32)
    acc_ref[...] += jnp.dot(oh, z, preferred_element_type=jnp.float32)

    @pl.when(i == pl.num_programs(0) - 1)
    def _():
        hg = lax.dot_general(acc_ref[...], f3w_ref[...], dn,
                             preferred_element_type=jnp.float32) + f3b_ref[...]
        o_ref[...] = _l2norm(_leaky(hg))


def _dense(xn, a0, a1, cnt, batch3, W1_l, W1_r, fc1_W, fc1_b, fc3_W, fc3_b):
    nb = N // ROWS_TC
    row = lambda i: (i, 0)
    const = lambda i: (0, 0)
    return pl.pallas_call(
        _dense_body,
        out_shape=jax.ShapeDtypeStruct((G, D), jnp.float32),
        grid=(nb,),
        in_specs=[
            pl.BlockSpec((ROWS_TC, D), row),
            pl.BlockSpec((ROWS_TC, D), row),
            pl.BlockSpec((ROWS_TC, D), row),
            pl.BlockSpec((ROWS_TC, NW), lambda i: (i, 0)),
            pl.BlockSpec((1, 1, ROWS_TC), lambda i: (i, 0, 0)),
            pl.BlockSpec((D, D), const),
            pl.BlockSpec((D, D), const),
            pl.BlockSpec((D, 2 * D), const),
            pl.BlockSpec((1, D), const),
            pl.BlockSpec((D, D), const),
            pl.BlockSpec((1, D), const),
        ],
        out_specs=pl.BlockSpec((G, D), const),
        scratch_shapes=[pltpu.VMEM((G, D), jnp.float32)],
    )(xn, a0, a1, cnt, batch3, W1_l, W1_r, fc1_W, fc1_b, fc3_W, fc3_b)


def kernel(x, edge_index, batch, W1_l, W1_r, fc1_W, fc1_b, fc3_W, fc3_b):
    xn = _normalize(x)

    pad = E_PAD - E
    src_p = jnp.concatenate([edge_index[0], jnp.zeros((pad,), jnp.int32)])
    dst_p = jnp.concatenate([edge_index[1], jnp.full((pad,), DUMMY, jnp.int32)])
    src_arr = src_p.reshape(ALLOC_CH, CHUNK)
    dst_arr = dst_p.reshape(ALLOC_CH, CHUNK)

    agg_parts, cnt_parts = _sc_aggregate(xn, src_arr, dst_arr)

    a0 = agg_parts[0, :N, :]
    a1 = agg_parts[1, :N, :]
    cnt = cnt_parts[:, :N].T
    batch3 = batch.reshape(N // ROWS_TC, 1, ROWS_TC)

    return _dense(xn, a0, a1, cnt, batch3, W1_l, W1_r,
                  fc1_W, fc1_b.reshape(1, D), fc3_W, fc3_b.reshape(1, D))

# --- scband reference (transcript-rebuilt; emitter-appended) ---
"""Pipeline reference for scband-graph-sage-72541997629469 (READ-ONLY COPY).

The authoritative reference and input builder live on the scoring server;
editing this copy changes nothing except your own understanding.
"""

import jax, jax.numpy as jnp
import numpy as np

N = 10000
E = 320000
D_IN = 128
D_H = 128
G = 16


def _leaky(x):
    return jnp.where(x >= 0, x, 0.01 * x)


def _l2norm(x):
    n = jnp.sqrt(jnp.sum(x * x, axis=-1, keepdims=True))
    return x / jnp.maximum(n, 1e-12)


def setup_inputs(seed: int = 0) -> dict:
    key = jax.random.key(seed)
    ks = jax.random.split(key, 10)
    x = jax.random.uniform(ks[0], (N, D_IN), dtype=jnp.float32)
    edge_index = jax.random.randint(ks[1], (2, E), 0, N, dtype=jnp.int32)
    batch = jnp.sort(jax.random.randint(ks[2], (N,), 0, G, dtype=jnp.int32))
    def xavier(k, shape):
        fan_in, fan_out = shape[1], shape[0]
        a = float(np.sqrt(6.0 / (fan_in + fan_out)))
        return jax.random.uniform(k, shape, dtype=jnp.float32, minval=-a, maxval=a)
    W1_l = xavier(ks[3], (D_H, D_IN))
    W1_r = xavier(ks[4], (D_H, D_IN))
    fc1_W = xavier(ks[5], (D_H, D_H + D_IN))
    fc1_b = jnp.zeros((D_H,), dtype=jnp.float32)
    fc3_W = xavier(ks[6], (D_H, D_H))
    fc3_b = jnp.zeros((D_H,), dtype=jnp.float32)
    return {"x": x, "edge_index": edge_index, "batch": batch,
            "W1_l": W1_l, "W1_r": W1_r,
            "fc1_W": fc1_W, "fc1_b": fc1_b,
            "fc3_W": fc3_W, "fc3_b": fc3_b}


def reference(x, edge_index, batch, W1_l, W1_r, fc1_W, fc1_b, fc3_W, fc3_b):
    # preprocess_features: row-normalize (D^-1 x), inf -> 0
    rowsum = jnp.sum(x, axis=1)
    r_inv = jnp.where(rowsum != 0, 1.0 / rowsum, 0.0)
    x = x * r_inv[:, None]
    x_skip = x
    # SAGEConv (mean aggregation, normalize=True, bias=False)
    src = edge_index[0]
    dst = edge_index[1]
    msg = jnp.take(x, src, axis=0)
    agg = jax.ops.segment_sum(msg, dst, num_segments=N)
    cnt = jax.ops.segment_sum(jnp.ones((E,), dtype=x.dtype), dst, num_segments=N)
    agg = agg / jnp.maximum(cnt, 1.0)[:, None]
    h = agg @ W1_l.T + x @ W1_r.T
    h = _l2norm(h)
    h = _leaky(h)
    # fc1 on concat(conv_out, skip)
    h = jnp.concatenate([h, x_skip], axis=1)
    h = _leaky(h @ fc1_W.T + fc1_b)
    # global_add_pool over graph ids
    hg = jax.ops.segment_sum(h, batch, num_segments=G)
    # fc3 + final L2 normalize
    hg = _leaky(hg @ fc3_W.T + fc3_b)
    return _l2norm(hg)

if __name__ == "__main__":
    import jax
    _d = setup_inputs()
    print(jax.jit(kernel)(*tuple(_d.values())))

</pallas_src>

<mosaic_0001>
#map = affine_map<(d0, d1) -> (0, 0)>
#map1 = affine_map<(d0, d1) -> (0, 0, 0)>
module attributes {stable_mosaic.version = 14 : i64} {
  func.func @_sc_body(%arg0: i32, %arg1: i32, %arg2: memref<10000x128xf32, #tpu.memory_space<hbm>>, %arg3: memref<2664x128xi32, #tpu.memory_space<hbm>>, %arg4: memref<2664x128xi32, #tpu.memory_space<hbm>>, %arg5: memref<2x10240x128xf32, #tpu.memory_space<hbm>>, %arg6: memref<32x10240xf32, #tpu.memory_space<hbm>>, %arg7: memref<56x128xi32, #tpu.memory_space<vmem>>, %arg8: memref<56x128xi32, #tpu.memory_space<vmem>>, %arg9: memref<128x128xf32, #tpu.memory_space<vmem>>, %arg10: memref<10240xf32, #tpu.memory_space<vmem>>, %arg11: memref<10240x128xf32, #tpu.memory_space<vmem_shared>>, %arg12: memref<!tpu.dma_semaphore, #tpu.memory_space<semaphore_mem>>) attributes {dimension_semantics = [#tpu.dimension_semantics<core_parallel>, #tpu.dimension_semantics<subcore_parallel>], iteration_bounds = array<i64: 2, 16>, scalar_prefetch = 0 : i64, scratch_operands = 6 : i64, tpu.core_type = #tpu.core_type<sc_vector_subcore>, window_params = [{transform_indices = #map}, {transform_indices = #map}, {transform_indices = #map}, {transform_indices = #map1}, {transform_indices = #map}]} {
    %mul3A = arith.constant 16 : i32
    %mul3A_0 = arith.muli %arg0, %mul3A : i32
    %add3A = arith.addi %mul3A_0, %arg1 : i32
    %broadcast_in_dim3A = arith.constant 0.000000e+00 : f32
    %broadcast_in_dim3A_1 = vector.broadcast %broadcast_in_dim3A : f32 to vector<16xf32>
    %scan3A = arith.constant 0 : i32
    %scan3A_2 = arith.constant 0 : i32
    %scan3A_3 = arith.constant 640 : i32
    %scan3A_4 = arith.addi %scan3A_2, %scan3A_3 : i32
    %scan3A_5 = arith.constant 1 : i32
    scf.for %scan3A_123 = %scan3A_2 to %scan3A_4 step %scan3A_5  : i32 {
      %mul3A_124 = arith.constant 16 : i32
      %mul3A_125 = arith.muli %scan3A_123, %mul3A_124 : i32
      %swap3A = arith.index_cast %mul3A_125 : i32 to index
      %swap3A_126 = tpu.vector_load %arg10[%swap3A] {strides = array<i32>} : memref<10240xf32, #tpu.memory_space<vmem>>, vector<16xf32>,
      tpu.vector_store %arg10[%swap3A], %broadcast_in_dim3A_1 {strides = array<i32>} : memref<10240xf32, #tpu.memory_space<vmem>>, vector<16xf32>,
    }
    %scan3A_6 = arith.constant 640 : i32
    %scan3A_7 = arith.constant 0 : i32
    %scan3A_8 = arith.constant 0 : i32
    %scan3A_9 = arith.constant 1024 : i32
    %scan3A_10 = arith.addi %scan3A_8, %scan3A_9 : i32
    %scan3A_11 = arith.constant 1 : i32
    scf.for %scan3A_123 = %scan3A_8 to %scan3A_10 step %scan3A_11  : i32 {
      %jit3A_124 = arith.constant 8 : i32
      %div3A = arith.divsi %scan3A_123, %jit3A_124 : i32
      %sign3A = arith.constant 0 : i32
      %sign3A_125 = arith.cmpi sgt, %scan3A_123, %sign3A : i32
      %sign3A_126 = arith.extui %sign3A_125 : i1 to i32
      %sign3A_127 = arith.constant 0 : i32
      %sign3A_128 = arith.cmpi slt, %scan3A_123, %sign3A_127 : i32
      %sign3A_129 = arith.extui %sign3A_128 : i1 to i32
      %sign3A_130 = arith.subi %sign3A_126, %sign3A_129 : i32
      %sign3A_131 = arith.constant 0 : i32
      %sign3A_132 = arith.cmpi sgt, %jit3A_124, %sign3A_131 : i32
      %sign3A_133 = arith.extui %sign3A_132 : i1 to i32
      %sign3A_134 = arith.constant 0 : i32
      %sign3A_135 = arith.cmpi slt, %jit3A_124, %sign3A_134 : i32
      %sign3A_136 = arith.extui %sign3A_135 : i1 to i32
      %sign3A_137 = arith.subi %sign3A_133, %sign3A_136 : i32
      %ne3A = arith.cmpi ne, %sign3A_130, %sign3A_137 : i32
      %rem3A = arith.remsi %scan3A_123, %jit3A_124 : i32
      %ne3A_138 = arith.constant 0 : i32
      %ne3A_139 = arith.cmpi ne, %rem3A, %ne3A_138 : i32
      %and3A = arith.andi %ne3A, %ne3A_139 : i1
      %sub3A_140 = arith.constant 1 : i32
      %sub3A_141 = arith.subi %div3A, %sub3A_140 : i32
      %select_n3A_142 = arith.select %and3A, %sub3A_141, %div3A : i32
      %jit3A_143 = arith.constant 8 : i32
      %eq3A_144 = arith.constant 0 : i32
      %eq3A_145 = arith.cmpi eq, %jit3A_143, %eq3A_144 : i32
      %jit3A_146 = arith.constant 1 : i32
      %select_n3A_147 = arith.select %eq3A_145, %jit3A_146, %jit3A_143 : i32
      %rem3A_148 = arith.remsi %scan3A_123, %select_n3A_147 : i32
      %ne3A_149 = arith.constant 0 : i32
      %ne3A_150 = arith.cmpi ne, %rem3A_148, %ne3A_149 : i32
      %lt3A = arith.constant 0 : i32
      %lt3A_151 = arith.cmpi slt, %rem3A_148, %lt3A : i32
      %lt3A_152 = arith.constant 0 : i32
      %lt3A_153 = arith.cmpi slt, %select_n3A_147, %lt3A_152 : i32
      %ne3A_154 = arith.xori %lt3A_151, %lt3A_153 : i1
      %and3A_155 = arith.andi %ne3A_154, %ne3A_150 : i1
      %add3A_156 = arith.addi %rem3A_148, %select_n3A_147 : i32
      %select_n3A_157 = arith.select %and3A_155, %add3A_156, %rem3A_148 : i32
      %mul3A_158 = arith.constant 16 : i32
      %mul3A_159 = arith.muli %select_n3A_157, %mul3A_158 : i32
      %swap3A = arith.index_cast %select_n3A_142 : i32 to index
      %swap3A_160 = arith.index_cast %mul3A_159 : i32 to index
      %swap3A_161 = tpu.vector_load %arg9[%swap3A, %swap3A_160] {strides = array<i32>} : memref<128x128xf32, #tpu.memory_space<vmem>>, vector<16xf32>,
      tpu.vector_store %arg9[%swap3A, %swap3A_160], %broadcast_in_dim3A_1 {strides = array<i32>} : memref<128x128xf32, #tpu.memory_space<vmem>>, vector<16xf32>,
    }
    %scan3A_12 = arith.constant 1024 : i32
    %mul3A_13 = arith.constant 640 : i32
    %mul3A_14 = arith.muli %arg1, %mul3A_13 : i32
    %add3A_15 = arith.constant 0 : i32
    %add3A_16 = arith.addi %mul3A_14, %add3A_15 : i32
    "tpu.region"() ({
      %run_scoped3A = tpu.sem_alloc : memref<!tpu.dma_semaphore, #tpu.memory_space<semaphore_mem>>
      %dma_start3A = arith.constant 0 : i32
      %dma_start3A_123 = arith.constant 0 : i32
      %dma_start3A_124 = tpu.memref_slice %arg9[%dma_start3A, %dma_start3A_123] : memref<128x128xf32, #tpu.memory_space<vmem>> -> memref<128x128xf32, #tpu.memory_space<vmem>>
      %dma_start3A_125 = arith.constant 0 : i32
      %dma_start3A_126 = tpu.memref_slice %arg11[%add3A_16, %dma_start3A_125] : memref<10240x128xf32, #tpu.memory_space<vmem_shared>> -> memref<128x128xf32, #tpu.memory_space<vmem_shared>>
      %dma_start3A_127 = arith.constant 0 : i32
      %dma_start3A_128 = tpu.memref_slice %arg11[%add3A_16, %dma_start3A_127] : memref<10240x128xf32, #tpu.memory_space<vmem_shared>> -> memref<128x128xf32, #tpu.memory_space<vmem_shared>>
      %dma_start3A_129 = arith.constant 0 : i32
      %dma_start3A_130 = arith.constant 0 : i32
      %dma_start3A_131 = tpu.memref_slice %arg9[%dma_start3A_129, %dma_start3A_130] : memref<128x128xf32, #tpu.memory_space<vmem>> -> memref<128x128xf32, #tpu.memory_space<vmem>>
      tpu.enqueue_dma source(%dma_start3A_131 : memref<128x128xf32, #tpu.memory_space<vmem>>) target(%dma_start3A_128 : memref<128x128xf32, #tpu.memory_space<vmem_shared>>) target_semaphore(%run_scoped3A : memref<!tpu.dma_semaphore, #tpu.memory_space<semaphore_mem>>)
      %dma_wait3A = arith.constant 0 : i32
      %dma_wait3A_132 = arith.constant 0 : i32
      %dma_wait3A_133 = tpu.memref_slice %arg9[%dma_wait3A, %dma_wait3A_132] : memref<128x128xf32, #tpu.memory_space<vmem>> -> memref<128x128xf32, #tpu.memory_space<vmem>>
      %dma_wait3A_134 = arith.constant 0 : i32
      %dma_wait3A_135 = tpu.memref_slice %arg11[%add3A_16, %dma_wait3A_134] : memref<10240x128xf32, #tpu.memory_space<vmem_shared>> -> memref<128x128xf32, #tpu.memory_space<vmem_shared>>
      %dma_wait3A_136 = arith.constant 0 : i32
      %dma_wait3A_137 = tpu.memref_slice %arg11[%add3A_16, %dma_wait3A_136] : memref<10240x128xf32, #tpu.memory_space<vmem_shared>> -> memref<128x128xf32, #tpu.memory_space<vmem_shared>>
      %dma_wait3A_138 = arith.constant 0 : i32
      %dma_wait3A_139 = arith.constant 0 : i32
      %dma_wait3A_140 = tpu.memref_slice %arg9[%dma_wait3A_138, %dma_wait3A_139] : memref<128x128xf32, #tpu.memory_space<vmem>> -> memref<128x128xf32, #tpu.memory_space<vmem>>
      tpu.wait_dma2 semaphore(%run_scoped3A : memref<!tpu.dma_semaphore, #tpu.memory_space<semaphore_mem>>) src(%dma_wait3A_140 : memref<128x128xf32, #tpu.memory_space<vmem>>) dst(%dma_wait3A_137 : memref<128x128xf32, #tpu.memory_space<vmem_shared>>)
      tpu.yield
    }) : () -> ()
    %mul3A_17 = arith.constant 640 : i32
    %mul3A_18 = arith.muli %arg1, %mul3A_17 : i32
    %add3A_19 = arith.constant 128 : i32
    %add3A_20 = arith.addi %mul3A_18, %add3A_19 : i32
    "tpu.region"() ({
      %run_scoped3A = tpu.sem_alloc : memref<!tpu.dma_semaphore, #tpu.memory_space<semaphore_mem>>
      %dma_start3A = arith.constant 0 : i32
      %dma_start3A_123 = arith.constant 0 : i32
      %dma_start3A_124 = tpu.memref_slice %arg9[%dma_start3A, %dma_start3A_123] : memref<128x128xf32, #tpu.memory_space<vmem>> -> memref<128x128xf32, #tpu.memory_space<vmem>>
      %dma_start3A_125 = arith.constant 0 : i32
      %dma_start3A_126 = tpu.memref_slice %arg11[%add3A_20, %dma_start3A_125] : memref<10240x128xf32, #tpu.memory_space<vmem_shared>> -> memref<128x128xf32, #tpu.memory_space<vmem_shared>>
      %dma_start3A_127 = arith.constant 0 : i32
      %dma_start3A_128 = tpu.memref_slice %arg11[%add3A_20, %dma_start3A_127] : memref<10240x128xf32, #tpu.memory_space<vmem_shared>> -> memref<128x128xf32, #tpu.memory_space<vmem_shared>>
      %dma_start3A_129 = arith.constant 0 : i32
      %dma_start3A_130 = arith.constant 0 : i32
      %dma_start3A_131 = tpu.memref_slice %arg9[%dma_start3A_129, %dma_start3A_130] : memref<128x128xf32, #tpu.memory_space<vmem>> -> memref<128x128xf32, #tpu.memory_space<vmem>>
      tpu.enqueue_dma source(%dma_start3A_131 : memref<128x128xf32, #tpu.memory_space<vmem>>) target(%dma_start3A_128 : memref<128x128xf32, #tpu.memory_space<vmem_shared>>) target_semaphore(%run_scoped3A : memref<!tpu.dma_semaphore, #tpu.memory_space<semaphore_mem>>)
      %dma_wait3A = arith.constant 0 : i32
      %dma_wait3A_132 = arith.constant 0 : i32
      %dma_wait3A_133 = tpu.memref_slice %arg9[%dma_wait3A, %dma_wait3A_132] : memref<128x128xf32, #tpu.memory_space<vmem>> -> memref<128x128xf32, #tpu.memory_space<vmem>>
      %dma_wait3A_134 = arith.constant 0 : i32
      %dma_wait3A_135 = tpu.memref_slice %arg11[%add3A_20, %dma_wait3A_134] : memref<10240x128xf32, #tpu.memory_space<vmem_shared>> -> memref<128x128xf32, #tpu.memory_space<vmem_shared>>
      %dma_wait3A_136 = arith.constant 0 : i32
      %dma_wait3A_137 = tpu.memref_slice %arg11[%add3A_20, %dma_wait3A_136] : memref<10240x128xf32, #tpu.memory_space<vmem_shared>> -> memref<128x128xf32, #tpu.memory_space<vmem_shared>>
      %dma_wait3A_138 = arith.constant 0 : i32
      %dma_wait3A_139 = arith.constant 0 : i32
      %dma_wait3A_140 = tpu.memref_slice %arg9[%dma_wait3A_138, %dma_wait3A_139] : memref<128x128xf32, #tpu.memory_space<vmem>> -> memref<128x128xf32, #tpu.memory_space<vmem>>
      tpu.wait_dma2 semaphore(%run_scoped3A : memref<!tpu.dma_semaphore, #tpu.memory_space<semaphore_mem>>) src(%dma_wait3A_140 : memref<128x128xf32, #tpu.memory_space<vmem>>) dst(%dma_wait3A_137 : memref<128x128xf32, #tpu.memory_space<vmem_shared>>)
      tpu.yield
    }) : () -> ()
    %mul3A_21 = arith.constant 640 : i32
    %mul3A_22 = arith.muli %arg1, %mul3A_21 : i32
    %add3A_23 = arith.constant 256 : i32
    %add3A_24 = arith.addi %mul3A_22, %add3A_23 : i32
    "tpu.region"() ({
      %run_scoped3A = tpu.sem_alloc : memref<!tpu.dma_semaphore, #tpu.memory_space<semaphore_mem>>
      %dma_start3A = arith.constant 0 : i32
      %dma_start3A_123 = arith.constant 0 : i32
      %dma_start3A_124 = tpu.memref_slice %arg9[%dma_start3A, %dma_start3A_123] : memref<128x128xf32, #tpu.memory_space<vmem>> -> memref<128x128xf32, #tpu.memory_space<vmem>>
      %dma_start3A_125 = arith.constant 0 : i32
      %dma_start3A_126 = tpu.memref_slice %arg11[%add3A_24, %dma_start3A_125] : memref<10240x128xf32, #tpu.memory_space<vmem_shared>> -> memref<128x128xf32, #tpu.memory_space<vmem_shared>>
      %dma_start3A_127 = arith.constant 0 : i32
      %dma_start3A_128 = tpu.memref_slice %arg11[%add3A_24, %dma_start3A_127] : memref<10240x128xf32, #tpu.memory_space<vmem_shared>> -> memref<128x128xf32, #tpu.memory_space<vmem_shared>>
      %dma_start3A_129 = arith.constant 0 : i32
      %dma_start3A_130 = arith.constant 0 : i32
      %dma_start3A_131 = tpu.memref_slice %arg9[%dma_start3A_129, %dma_start3A_130] : memref<128x128xf32, #tpu.memory_space<vmem>> -> memref<128x128xf32, #tpu.memory_space<vmem>>
      tpu.enqueue_dma source(%dma_start3A_131 : memref<128x128xf32, #tpu.memory_space<vmem>>) target(%dma_start3A_128 : memref<128x128xf32, #tpu.memory_space<vmem_shared>>) target_semaphore(%run_scoped3A : memref<!tpu.dma_semaphore, #tpu.memory_space<semaphore_mem>>)
      %dma_wait3A = arith.constant 0 : i32
      %dma_wait3A_132 = arith.constant 0 : i32
      %dma_wait3A_133 = tpu.memref_slice %arg9[%dma_wait3A, %dma_wait3A_132] : memref<128x128xf32, #tpu.memory_space<vmem>> -> memref<128x128xf32, #tpu.memory_space<vmem>>
      %dma_wait3A_134 = arith.constant 0 : i32
      %dma_wait3A_135 = tpu.memref_slice %arg11[%add3A_24, %dma_wait3A_134] : memref<10240x128xf32, #tpu.memory_space<vmem_shared>> -> memref<128x128xf32, #tpu.memory_space<vmem_shared>>
      %dma_wait3A_136 = arith.constant 0 : i32
      %dma_wait3A_137 = tpu.memref_slice %arg11[%add3A_24, %dma_wait3A_136] : memref<10240x128xf32, #tpu.memory_space<vmem_shared>> -> memref<128x128xf32, #tpu.memory_space<vmem_shared>>
      %dma_wait3A_138 = arith.constant 0 : i32
      %dma_wait3A_139 = arith.constant 0 : i32
      %dma_wait3A_140 = tpu.memref_slice %arg9[%dma_wait3A_138, %dma_wait3A_139] : memref<128x128xf32, #tpu.memory_space<vmem>> -> memref<128x128xf32, #tpu.memory_space<vmem>>
      tpu.wait_dma2 semaphore(%run_scoped3A : memref<!tpu.dma_semaphore, #tpu.memory_space<semaphore_mem>>) src(%dma_wait3A_140 : memref<128x128xf32, #tpu.memory_space<vmem>>) dst(%dma_wait3A_137 : memref<128x128xf32, #tpu.memory_space<vmem_shared>>)
      tpu.yield
    }) : () -> ()
    %mul3A_25 = arith.constant 640 : i32
    %mul3A_26 = arith.muli %arg1, %mul3A_25 : i32
    %add3A_27 = arith.constant 384 : i32
    %add3A_28 = arith.addi %mul3A_26, %add3A_27 : i32
    "tpu.region"() ({
      %run_scoped3A = tpu.sem_alloc : memref<!tpu.dma_semaphore, #tpu.memory_space<semaphore_mem>>
      %dma_start3A = arith.constant 0 : i32
      %dma_start3A_123 = arith.constant 0 : i32
      %dma_start3A_124 = tpu.memref_slice %arg9[%dma_start3A, %dma_start3A_123] : memref<128x128xf32, #tpu.memory_space<vmem>> -> memref<128x128xf32, #tpu.memory_space<vmem>>
      %dma_start3A_125 = arith.constant 0 : i32
      %dma_start3A_126 = tpu.memref_slice %arg11[%add3A_28, %dma_start3A_125] : memref<10240x128xf32, #tpu.memory_space<vmem_shared>> -> memref<128x128xf32, #tpu.memory_space<vmem_shared>>
      %dma_start3A_127 = arith.constant 0 : i32
      %dma_start3A_128 = tpu.memref_slice %arg11[%add3A_28, %dma_start3A_127] : memref<10240x128xf32, #tpu.memory_space<vmem_shared>> -> memref<128x128xf32, #tpu.memory_space<vmem_shared>>
      %dma_start3A_129 = arith.constant 0 : i32
      %dma_start3A_130 = arith.constant 0 : i32
      %dma_start3A_131 = tpu.memref_slice %arg9[%dma_start3A_129, %dma_start3A_130] : memref<128x128xf32, #tpu.memory_space<vmem>> -> memref<128x128xf32, #tpu.memory_space<vmem>>
      tpu.enqueue_dma source(%dma_start3A_131 : memref<128x128xf32, #tpu.memory_space<vmem>>) target(%dma_start3A_128 : memref<128x128xf32, #tpu.memory_space<vmem_shared>>) target_semaphore(%run_scoped3A : memref<!tpu.dma_semaphore, #tpu.memory_space<semaphore_mem>>)
      %dma_wait3A = arith.constant 0 : i32
      %dma_wait3A_132 = arith.constant 0 : i32
      %dma_wait3A_133 = tpu.memref_slice %arg9[%dma_wait3A, %dma_wait3A_132] : memref<128x128xf32, #tpu.memory_space<vmem>> -> memref<128x128xf32, #tpu.memory_space<vmem>>
      %dma_wait3A_134 = arith.constant 0 : i32
      %dma_wait3A_135 = tpu.memref_slice %arg11[%add3A_28, %dma_wait3A_134] : memref<10240x128xf32, #tpu.memory_space<vmem_shared>> -> memref<128x128xf32, #tpu.memory_space<vmem_shared>>
      %dma_wait3A_136 = arith.constant 0 : i32
      %dma_wait3A_137 = tpu.memref_slice %arg11[%add3A_28, %dma_wait3A_136] : memref<10240x128xf32, #tpu.memory_space<vmem_shared>> -> memref<128x128xf32, #tpu.memory_space<vmem_shared>>
      %dma_wait3A_138 = arith.constant 0 : i32
      %dma_wait3A_139 = arith.constant 0 : i32
      %dma_wait3A_140 = tpu.memref_slice %arg9[%dma_wait3A_138, %dma_wait3A_139] : memref<128x128xf32, #tpu.memory_space<vmem>> -> memref<128x128xf32, #tpu.memory_space<vmem>>
      tpu.wait_dma2 semaphore(%run_scoped3A : memref<!tpu.dma_semaphore, #tpu.memory_space<semaphore_mem>>) src(%dma_wait3A_140 : memref<128x128xf32, #tpu.memory_space<vmem>>) dst(%dma_wait3A_137 : memref<128x128xf32, #tpu.memory_space<vmem_shared>>)
      tpu.yield
    }) : () -> ()
    %mul3A_29 = arith.constant 640 : i32
    %mul3A_30 = arith.muli %arg1, %mul3A_29 : i32
    %add3A_31 = arith.constant 512 : i32
    %add3A_32 = arith.addi %mul3A_30, %add3A_31 : i32
    "tpu.region"() ({
      %run_scoped3A = tpu.sem_alloc : memref<!tpu.dma_semaphore, #tpu.memory_space<semaphore_mem>>
      %dma_start3A = arith.constant 0 : i32
      %dma_start3A_123 = arith.constant 0 : i32
      %dma_start3A_124 = tpu.memref_slice %arg9[%dma_start3A, %dma_start3A_123] : memref<128x128xf32, #tpu.memory_space<vmem>> -> memref<128x128xf32, #tpu.memory_space<vmem>>
      %dma_start3A_125 = arith.constant 0 : i32
      %dma_start3A_126 = tpu.memref_slice %arg11[%add3A_32, %dma_start3A_125] : memref<10240x128xf32, #tpu.memory_space<vmem_shared>> -> memref<128x128xf32, #tpu.memory_space<vmem_shared>>
      %dma_start3A_127 = arith.constant 0 : i32
      %dma_start3A_128 = tpu.memref_slice %arg11[%add3A_32, %dma_start3A_127] : memref<10240x128xf32, #tpu.memory_space<vmem_shared>> -> memref<128x128xf32, #tpu.memory_space<vmem_shared>>
      %dma_start3A_129 = arith.constant 0 : i32
      %dma_start3A_130 = arith.constant 0 : i32
      %dma_start3A_131 = tpu.memref_slice %arg9[%dma_start3A_129, %dma_start3A_130] : memref<128x128xf32, #tpu.memory_space<vmem>> -> memref<128x128xf32, #tpu.memory_space<vmem>>
      tpu.enqueue_dma source(%dma_start3A_131 : memref<128x128xf32, #tpu.memory_space<vmem>>) target(%dma_start3A_128 : memref<128x128xf32, #tpu.memory_space<vmem_shared>>) target_semaphore(%run_scoped3A : memref<!tpu.dma_semaphore, #tpu.memory_space<semaphore_mem>>)
      %dma_wait3A = arith.constant 0 : i32
      %dma_wait3A_132 = arith.constant 0 : i32
      %dma_wait3A_133 = tpu.memref_slice %arg9[%dma_wait3A, %dma_wait3A_132] : memref<128x128xf32, #tpu.memory_space<vmem>> -> memref<128x128xf32, #tpu.memory_space<vmem>>
      %dma_wait3A_134 = arith.constant 0 : i32
      %dma_wait3A_135 = tpu.memref_slice %arg11[%add3A_32, %dma_wait3A_134] : memref<10240x128xf32, #tpu.memory_space<vmem_shared>> -> memref<128x128xf32, #tpu.memory_space<vmem_shared>>
      %dma_wait3A_136 = arith.constant 0 : i32
      %dma_wait3A_137 = tpu.memref_slice %arg11[%add3A_32, %dma_wait3A_136] : memref<10240x128xf32, #tpu.memory_space<vmem_shared>> -> memref<128x128xf32, #tpu.memory_space<vmem_shared>>
      %dma_wait3A_138 = arith.constant 0 : i32
      %dma_wait3A_139 = arith.constant 0 : i32
      %dma_wait3A_140 = tpu.memref_slice %arg9[%dma_wait3A_138, %dma_wait3A_139] : memref<128x128xf32, #tpu.memory_space<vmem>> -> memref<128x128xf32, #tpu.memory_space<vmem>>
      tpu.wait_dma2 semaphore(%run_scoped3A : memref<!tpu.dma_semaphore, #tpu.memory_space<semaphore_mem>>) src(%dma_wait3A_140 : memref<128x128xf32, #tpu.memory_space<vmem>>) dst(%dma_wait3A_137 : memref<128x128xf32, #tpu.memory_space<vmem_shared>>)
      tpu.yield
    }) : () -> ()
    %barrier3A = arith.constant 0 : index
    tpu.barrier barrier_id(%barrier3A)
    %broadcast_in_dim3A_33 = arith.constant 1.000000e+00 : f32
    %broadcast_in_dim3A_34 = vector.broadcast %broadcast_in_dim3A_33 : f32 to vector<16xf32>
    %eq3A = arith.constant 0 : i32
    %eq3A_35 = arith.cmpi eq, %arg0, %eq3A : i32
    %mul3A_36 = arith.constant 104 : i32
    %mul3A_37 = arith.muli %arg1, %mul3A_36 : i32
    %mul3A_38 = arith.constant 56 : i32
    %mul3A_39 = arith.muli %arg1, %mul3A_38 : i32
    %add3A_40 = arith.constant 1664 : i32
    %add3A_41 = arith.addi %add3A_40, %mul3A_39 : i32
    %select_n3A = arith.select %eq3A_35, %mul3A_37, %add3A_41 : i32
    %eq3A_42 = arith.constant 0 : i32
    %eq3A_43 = arith.cmpi eq, %arg0, %eq3A_42 : i32
    %jit3A = arith.constant 104 : i32
    %jit3A_44 = arith.constant 56 : i32
    %select_n3A_45 = arith.select %eq3A_43, %jit3A, %jit3A_44 : i32
    %add3A_46 = arith.constant 0 : i32
    %add3A_47 = arith.addi %select_n3A, %add3A_46 : i32
    "tpu.region"() ({
      %run_scoped3A = tpu.sem_alloc : memref<!tpu.dma_semaphore, #tpu.memory_space<semaphore_mem>>
      %dma_start3A = arith.constant 0 : i32
      %dma_start3A_123 = arith.constant 0 : i32
      %dma_start3A_124 = tpu.memref_slice %arg7[%dma_start3A, %dma_start3A_123] : memref<56x128xi32, #tpu.memory_space<vmem>> -> memref<56x128xi32, #tpu.memory_space<vmem>>
      %dma_start3A_125 = arith.constant 0 : i32
      %dma_start3A_126 = tpu.memref_slice %arg3[%add3A_47, %dma_start3A_125] : memref<2664x128xi32, #tpu.memory_space<hbm>> -> memref<56x128xi32, #tpu.memory_space<hbm>>
      %dma_start3A_127 = arith.constant 0 : i32
      %dma_start3A_128 = arith.constant 0 : i32
      %dma_start3A_129 = tpu.memref_slice %arg7[%dma_start3A_127, %dma_start3A_128] : memref<56x128xi32, #tpu.memory_space<vmem>> -> memref<56x128xi32, #tpu.memory_space<vmem>>
      %dma_start3A_130 = arith.constant 0 : i32
      %dma_start3A_131 = tpu.memref_slice %arg3[%add3A_47, %dma_start3A_130] : memref<2664x128xi32, #tpu.memory_space<hbm>> -> memref<56x128xi32, #tpu.memory_space<hbm>>
      tpu.enqueue_dma source(%dma_start3A_131 : memref<56x128xi32, #tpu.memory_space<hbm>>) target(%dma_start3A_129 : memref<56x128xi32, #tpu.memory_space<vmem>>) target_semaphore(%run_scoped3A : memref<!tpu.dma_semaphore, #tpu.memory_space<semaphore_mem>>)
      %dma_wait3A = arith.constant 0 : i32
      %dma_wait3A_132 = arith.constant 0 : i32
      %dma_wait3A_133 = tpu.memref_slice %arg7[%dma_wait3A, %dma_wait3A_132] : memref<56x128xi32, #tpu.memory_space<vmem>> -> memref<56x128xi32, #tpu.memory_space<vmem>>
      %dma_wait3A_134 = arith.constant 0 : i32
      %dma_wait3A_135 = tpu.memref_slice %arg3[%add3A_47, %dma_wait3A_134] : memref<2664x128xi32, #tpu.memory_space<hbm>> -> memref<56x128xi32, #tpu.memory_space<hbm>>
      %dma_wait3A_136 = arith.constant 0 : i32
      %dma_wait3A_137 = arith.constant 0 : i32
      %dma_wait3A_138 = tpu.memref_slice %arg7[%dma_wait3A_136, %dma_wait3A_137] : memref<56x128xi32, #tpu.memory_space<vmem>> -> memref<56x128xi32, #tpu.memory_space<vmem>>
      %dma_wait3A_139 = arith.constant 0 : i32
      %dma_wait3A_140 = tpu.memref_slice %arg3[%add3A_47, %dma_wait3A_139] : memref<2664x128xi32, #tpu.memory_space<hbm>> -> memref<56x128xi32, #tpu.memory_space<hbm>>
      tpu.wait_dma2 semaphore(%run_scoped3A : memref<!tpu.dma_semaphore, #tpu.memory_space<semaphore_mem>>) src(%dma_wait3A_140 : memref<56x128xi32, #tpu.memory_space<hbm>>) dst(%dma_wait3A_138 : memref<56x128xi32, #tpu.memory_space<vmem>>)
      tpu.yield
    }) : () -> ()
    %add3A_48 = arith.constant 0 : i32
    %add3A_49 = arith.addi %select_n3A, %add3A_48 : i32
    "tpu.region"() ({
      %run_scoped3A = tpu.sem_alloc : memref<!tpu.dma_semaphore, #tpu.memory_space<semaphore_mem>>
      %dma_start3A = arith.constant 0 : i32
      %dma_start3A_123 = arith.constant 0 : i32
      %dma_start3A_124 = tpu.memref_slice %arg8[%dma_start3A, %dma_start3A_123] : memref<56x128xi32, #tpu.memory_space<vmem>> -> memref<56x128xi32, #tpu.memory_space<vmem>>
      %dma_start3A_125 = arith.constant 0 : i32
      %dma_start3A_126 = tpu.memref_slice %arg4[%add3A_49, %dma_start3A_125] : memref<2664x128xi32, #tpu.memory_space<hbm>> -> memref<56x128xi32, #tpu.memory_space<hbm>>
      %dma_start3A_127 = arith.constant 0 : i32
      %dma_start3A_128 = arith.constant 0 : i32
      %dma_start3A_129 = tpu.memref_slice %arg8[%dma_start3A_127, %dma_start3A_128] : memref<56x128xi32, #tpu.memory_space<vmem>> -> memref<56x128xi32, #tpu.memory_space<vmem>>
      %dma_start3A_130 = arith.constant 0 : i32
      %dma_start3A_131 = tpu.memref_slice %arg4[%add3A_49, %dma_start3A_130] : memref<2664x128xi32, #tpu.memory_space<hbm>> -> memref<56x128xi32, #tpu.memory_space<hbm>>
      tpu.enqueue_dma source(%dma_start3A_131 : memref<56x128xi32, #tpu.memory_space<hbm>>) target(%dma_start3A_129 : memref<56x128xi32, #tpu.memory_space<vmem>>) target_semaphore(%run_scoped3A : memref<!tpu.dma_semaphore, #tpu.memory_space<semaphore_mem>>)
      %dma_wait3A = arith.constant 0 : i32
      %dma_wait3A_132 = arith.constant 0 : i32
      %dma_wait3A_133 = tpu.memref_slice %arg8[%dma_wait3A, %dma_wait3A_132] : memref<56x128xi32, #tpu.memory_space<vmem>> -> memref<56x128xi32, #tpu.memory_space<vmem>>
      %dma_wait3A_134 = arith.constant 0 : i32
      %dma_wait3A_135 = tpu.memref_slice %arg4[%add3A_49, %dma_wait3A_134] : memref<2664x128xi32, #tpu.memory_space<hbm>> -> memref<56x128xi32, #tpu.memory_space<hbm>>
      %dma_wait3A_136 = arith.constant 0 : i32
      %dma_wait3A_137 = arith.constant 0 : i32
      %dma_wait3A_138 = tpu.memref_slice %arg8[%dma_wait3A_136, %dma_wait3A_137] : memref<56x128xi32, #tpu.memory_space<vmem>> -> memref<56x128xi32, #tpu.memory_space<vmem>>
      %dma_wait3A_139 = arith.constant 0 : i32
      %dma_wait3A_140 = tpu.memref_slice %arg4[%add3A_49, %dma_wait3A_139] : memref<2664x128xi32, #tpu.memory_space<hbm>> -> memref<56x128xi32, #tpu.memory_space<hbm>>
      tpu.wait_dma2 semaphore(%run_scoped3A : memref<!tpu.dma_semaphore, #tpu.memory_space<semaphore_mem>>) src(%dma_wait3A_140 : memref<56x128xi32, #tpu.memory_space<hbm>>) dst(%dma_wait3A_138 : memref<56x128xi32, #tpu.memory_space<vmem>>)
      tpu.yield
    }) : () -> ()
    %sub3A = arith.constant 0 : i32
    %sub3A_50 = arith.subi %select_n3A_45, %sub3A : i32
    %jit3A_51 = arith.constant 0 : i32
    %jit3A_52 = arith.constant 56 : i32
    %max3A = arith.maxsi %jit3A_51, %sub3A_50 : i32
    %min3A = arith.minsi %jit3A_52, %max3A : i32
    %while3A = arith.constant 0 : i32
    %while3A_53 = arith.constant 0 : i32
    %while3A_54 = arith.subi %min3A, %while3A_53 : i32
    %while3A_55 = arith.addi %while3A_53, %while3A_54 : i32
    %while3A_56 = arith.constant 1 : i32
    %while3A_57 = arith.divsi %while3A_54, %while3A_56 : i32
    %while3A_58 = arith.muli %while3A_57, %while3A_56 : i32
    %while3A_59 = arith.addi %while3A_53, %while3A_58 : i32
    %while3A_60 = arith.constant 1 : i32
    scf.for %while3A_123 = %while3A_53 to %while3A_59 step %while3A_60  : i32 {
      %dma_start3A = arith.constant 0 : i32
      %dma_start3A_124 = tpu.memref_slice %arg7[%while3A_123, %dma_start3A] : memref<56x128xi32, #tpu.memory_space<vmem>> -> memref<1x128xi32, #tpu.memory_space<vmem>>
      %dma_start3A_125 = tpu.memref_squeeze %dma_start3A_124 : memref<1x128xi32, #tpu.memory_space<vmem>> -> memref<128xi32, #tpu.memory_space<vmem>>
      %dma_start3A_126 = arith.constant 0 : i32
      %dma_start3A_127 = arith.constant 0 : i32
      %dma_start3A_128 = tpu.memref_slice %arg2[%dma_start3A_126, %dma_start3A_127] : memref<10000x128xf32, #tpu.memory_space<hbm>> -> memref<10000x128xf32, #tpu.memory_space<hbm>>
      tpu.enqueue_indirect_dma source(%dma_start3A_128 : memref<10000x128xf32, #tpu.memory_space<hbm>>) target(%arg9 : memref<128x128xf32, #tpu.memory_space<vmem>>) offsets(%dma_start3A_125 : memref<128xi32, #tpu.memory_space<vmem>>) semaphore(%arg12 : memref<!tpu.dma_semaphore, #tpu.memory_space<semaphore_mem>>)
      %dma_wait3A = arith.constant 0 : i32
      %dma_wait3A_129 = tpu.memref_slice %arg7[%while3A_123, %dma_wait3A] : memref<56x128xi32, #tpu.memory_space<vmem>> -> memref<1x128xi32, #tpu.memory_space<vmem>>
      %dma_wait3A_130 = tpu.memref_squeeze %dma_wait3A_129 : memref<1x128xi32, #tpu.memory_space<vmem>> -> memref<128xi32, #tpu.memory_space<vmem>>
      %dma_wait3A_131 = arith.constant 0 : i32
      %dma_wait3A_132 = arith.constant 0 : i32
      %dma_wait3A_133 = tpu.memref_slice %arg2[%dma_wait3A_131, %dma_wait3A_132] : memref<10000x128xf32, #tpu.memory_space<hbm>> -> memref<10000x128xf32, #tpu.memory_space<hbm>>
      tpu.wait_indirect_dma semaphore(%arg12 : memref<!tpu.dma_semaphore, #tpu.memory_space<semaphore_mem>>) src(%dma_wait3A_133 : memref<10000x128xf32, #tpu.memory_space<hbm>>) dst(%arg9 : memref<128x128xf32, #tpu.memory_space<vmem>>)
      %scan3A_134 = arith.constant 0 : i32
      %scan3A_135 = arith.constant 0 : i32
      %scan3A_136 = arith.constant 8 : i32
      %scan3A_137 = arith.addi %scan3A_135, %scan3A_136 : i32
      %scan3A_138 = arith.constant 1 : i32
      scf.for %scan3A_140 = %scan3A_135 to %scan3A_137 step %scan3A_138  : i32 {
        %mul3A_141 = arith.constant 16 : i32
        %mul3A_142 = arith.muli %scan3A_140, %mul3A_141 : i32
        %get3A = arith.index_cast %while3A_123 : i32 to index
        %get3A_143 = arith.index_cast %mul3A_142 : i32 to index
        %get3A_144 = tpu.vector_load %arg8[%get3A, %get3A_143] {strides = array<i32>} : memref<56x128xi32, #tpu.memory_space<vmem>>, vector<16xi32>,
        tpu.vector_store_idx %arg10[%get3A_144], %broadcast_in_dim3A_34 {add = true} : memref<10240xf32, #tpu.memory_space<vmem>>[vector<16xi32>], vector<16xf32>,
      }
      %scan3A_139 = arith.constant 8 : i32
      "tpu.region"() ({
        %run_scoped3A = tpu.sem_alloc : memref<!tpu.dma_semaphore, #tpu.memory_space<semaphore_mem>>
        %dma_start3A_140 = arith.constant 0 : i32
        %dma_start3A_141 = tpu.memref_slice %arg8[%while3A_123, %dma_start3A_140] : memref<56x128xi32, #tpu.memory_space<vmem>> -> memref<1x128xi32, #tpu.memory_space<vmem>>
        %dma_start3A_142 = tpu.memref_squeeze %dma_start3A_141 : memref<1x128xi32, #tpu.memory_space<vmem>> -> memref<128xi32, #tpu.memory_space<vmem>>
        %dma_start3A_143 = arith.constant 0 : i32
        %dma_start3A_144 = arith.constant 0 : i32
        %dma_start3A_145 = tpu.memref_slice %arg11[%dma_start3A_143, %dma_start3A_144] : memref<10240x128xf32, #tpu.memory_space<vmem_shared>> -> memref<10240x128xf32, #tpu.memory_space<vmem_shared>>
        tpu.enqueue_indirect_dma source(%arg9 : memref<128x128xf32, #tpu.memory_space<vmem>>) target(%dma_start3A_145 : memref<10240x128xf32, #tpu.memory_space<vmem_shared>>) offsets(%dma_start3A_142 : memref<128xi32, #tpu.memory_space<vmem>>) semaphore(%run_scoped3A : memref<!tpu.dma_semaphore, #tpu.memory_space<semaphore_mem>>) {add = true}
        %dma_wait3A_146 = arith.constant 0 : i32
        %dma_wait3A_147 = tpu.memref_slice %arg8[%while3A_123, %dma_wait3A_146] : memref<56x128xi32, #tpu.memory_space<vmem>> -> memref<1x128xi32, #tpu.memory_space<vmem>>
        %dma_wait3A_148 = tpu.memref_squeeze %dma_wait3A_147 : memref<1x128xi32, #tpu.memory_space<vmem>> -> memref<128xi32, #tpu.memory_space<vmem>>
        %dma_wait3A_149 = arith.constant 0 : i32
        %dma_wait3A_150 = arith.constant 0 : i32
        %dma_wait3A_151 = tpu.memref_slice %arg11[%dma_wait3A_149, %dma_wait3A_150] : memref<10240x128xf32, #tpu.memory_space<vmem_shared>> -> memref<10240x128xf32, #tpu.memory_space<vmem_shared>>
        tpu.wait_indirect_dma semaphore(%run_scoped3A : memref<!tpu.dma_semaphore, #tpu.memory_space<semaphore_mem>>) src(%arg9 : memref<128x128xf32, #tpu.memory_space<vmem>>) dst(%dma_wait3A_151 : memref<10240x128xf32, #tpu.memory_space<vmem_shared>>)
        tpu.yield
      }) : () -> ()
    }
    %while3A_61 = arith.constant 1 : i32
    scf.for %while3A_123 = %while3A_59 to %while3A_55 step %while3A_61  : i32 {
      %dma_start3A = arith.constant 0 : i32
      %dma_start3A_124 = tpu.memref_slice %arg7[%while3A_123, %dma_start3A] : memref<56x128xi32, #tpu.memory_space<vmem>> -> memref<1x128xi32, #tpu.memory_space<vmem>>
      %dma_start3A_125 = tpu.memref_squeeze %dma_start3A_124 : memref<1x128xi32, #tpu.memory_space<vmem>> -> memref<128xi32, #tpu.memory_space<vmem>>
      %dma_start3A_126 = arith.constant 0 : i32
      %dma_start3A_127 = arith.constant 0 : i32
      %dma_start3A_128 = tpu.memref_slice %arg2[%dma_start3A_126, %dma_start3A_127] : memref<10000x128xf32, #tpu.memory_space<hbm>> -> memref<10000x128xf32, #tpu.memory_space<hbm>>
      tpu.enqueue_indirect_dma source(%dma_start3A_128 : memref<10000x128xf32, #tpu.memory_space<hbm>>) target(%arg9 : memref<128x128xf32, #tpu.memory_space<vmem>>) offsets(%dma_start3A_125 : memref<128xi32, #tpu.memory_space<vmem>>) semaphore(%arg12 : memref<!tpu.dma_semaphore, #tpu.memory_space<semaphore_mem>>)
      %dma_wait3A = arith.constant 0 : i32
      %dma_wait3A_129 = tpu.memref_slice %arg7[%while3A_123, %dma_wait3A] : memref<56x128xi32, #tpu.memory_space<vmem>> -> memref<1x128xi32, #tpu.memory_space<vmem>>
      %dma_wait3A_130 = tpu.memref_squeeze %dma_wait3A_129 : memref<1x128xi32, #tpu.memory_space<vmem>> -> memref<128xi32, #tpu.memory_space<vmem>>
      %dma_wait3A_131 = arith.constant 0 : i32
      %dma_wait3A_132 = arith.constant 0 : i32
      %dma_wait3A_133 = tpu.memref_slice %arg2[%dma_wait3A_131, %dma_wait3A_132] : memref<10000x128xf32, #tpu.memory_space<hbm>> -> memref<10000x128xf32, #tpu.memory_space<hbm>>
      tpu.wait_indirect_dma semaphore(%arg12 : memref<!tpu.dma_semaphore, #tpu.memory_space<semaphore_mem>>) src(%dma_wait3A_133 : memref<10000x128xf32, #tpu.memory_space<hbm>>) dst(%arg9 : memref<128x128xf32, #tpu.memory_space<vmem>>)
      %scan3A_134 = arith.constant 0 : i32
      %scan3A_135 = arith.constant 0 : i32
      %scan3A_136 = arith.constant 8 : i32
      %scan3A_137 = arith.addi %scan3A_135, %scan3A_136 : i32
      %scan3A_138 = arith.constant 1 : i32
      scf.for %scan3A_140 = %scan3A_135 to %scan3A_137 step %scan3A_138  : i32 {
        %mul3A_141 = arith.constant 16 : i32
        %mul3A_142 = arith.muli %scan3A_140, %mul3A_141 : i32
        %get3A = arith.index_cast %while3A_123 : i32 to index
        %get3A_143 = arith.index_cast %mul3A_142 : i32 to index
        %get3A_144 = tpu.vector_load %arg8[%get3A, %get3A_143] {strides = array<i32>} : memref<56x128xi32, #tpu.memory_space<vmem>>, vector<16xi32>,
        tpu.vector_store_idx %arg10[%get3A_144], %broadcast_in_dim3A_34 {add = true} : memref<10240xf32, #tpu.memory_space<vmem>>[vector<16xi32>], vector<16xf32>,
      }
      %scan3A_139 = arith.constant 8 : i32
      "tpu.region"() ({
        %run_scoped3A = tpu.sem_alloc : memref<!tpu.dma_semaphore, #tpu.memory_space<semaphore_mem>>
        %dma_start3A_140 = arith.constant 0 : i32
        %dma_start3A_141 = tpu.memref_slice %arg8[%while3A_123, %dma_start3A_140] : memref<56x128xi32, #tpu.memory_space<vmem>> -> memref<1x128xi32, #tpu.memory_space<vmem>>
        %dma_start3A_142 = tpu.memref_squeeze %dma_start3A_141 : memref<1x128xi32, #tpu.memory_space<vmem>> -> memref<128xi32, #tpu.memory_space<vmem>>
        %dma_start3A_143 = arith.constant 0 : i32
        %dma_start3A_144 = arith.constant 0 : i32
        %dma_start3A_145 = tpu.memref_slice %arg11[%dma_start3A_143, %dma_start3A_144] : memref<10240x128xf32, #tpu.memory_space<vmem_shared>> -> memref<10240x128xf32, #tpu.memory_space<vmem_shared>>
        tpu.enqueue_indirect_dma source(%arg9 : memref<128x128xf32, #tpu.memory_space<vmem>>) target(%dma_start3A_145 : memref<10240x128xf32, #tpu.memory_space<vmem_shared>>) offsets(%dma_start3A_142 : memref<128xi32, #tpu.memory_space<vmem>>) semaphore(%run_scoped3A : memref<!tpu.dma_semaphore, #tpu.memory_space<semaphore_mem>>) {add = true}
        %dma_wait3A_146 = arith.constant 0 : i32
        %dma_wait3A_147 = tpu.memref_slice %arg8[%while3A_123, %dma_wait3A_146] : memref<56x128xi32, #tpu.memory_space<vmem>> -> memref<1x128xi32, #tpu.memory_space<vmem>>
        %dma_wait3A_148 = tpu.memref_squeeze %dma_wait3A_147 : memref<1x128xi32, #tpu.memory_space<vmem>> -> memref<128xi32, #tpu.memory_space<vmem>>
        %dma_wait3A_149 = arith.constant 0 : i32
        %dma_wait3A_150 = arith.constant 0 : i32
        %dma_wait3A_151 = tpu.memref_slice %arg11[%dma_wait3A_149, %dma_wait3A_150] : memref<10240x128xf32, #tpu.memory_space<vmem_shared>> -> memref<10240x128xf32, #tpu.memory_space<vmem_shared>>
        tpu.wait_indirect_dma semaphore(%run_scoped3A : memref<!tpu.dma_semaphore, #tpu.memory_space<semaphore_mem>>) src(%arg9 : memref<128x128xf32, #tpu.memory_space<vmem>>) dst(%dma_wait3A_151 : memref<10240x128xf32, #tpu.memory_space<vmem_shared>>)
        tpu.yield
      }) : () -> ()
    }
    %add3A_62 = arith.constant 56 : i32
    %add3A_63 = arith.addi %select_n3A, %add3A_62 : i32
    "tpu.region"() ({
      %run_scoped3A = tpu.sem_alloc : memref<!tpu.dma_semaphore, #tpu.memory_space<semaphore_mem>>
      %dma_start3A = arith.constant 0 : i32
      %dma_start3A_123 = arith.constant 0 : i32
      %dma_start3A_124 = tpu.memref_slice %arg7[%dma_start3A, %dma_start3A_123] : memref<56x128xi32, #tpu.memory_space<vmem>> -> memref<48x128xi32, #tpu.memory_space<vmem>>
      %dma_start3A_125 = arith.constant 0 : i32
      %dma_start3A_126 = tpu.memref_slice %arg3[%add3A_63, %dma_start3A_125] : memref<2664x128xi32, #tpu.memory_space<hbm>> -> memref<48x128xi32, #tpu.memory_space<hbm>>
      %dma_start3A_127 = arith.constant 0 : i32
      %dma_start3A_128 = arith.constant 0 : i32
      %dma_start3A_129 = tpu.memref_slice %arg7[%dma_start3A_127, %dma_start3A_128] : memref<56x128xi32, #tpu.memory_space<vmem>> -> memref<48x128xi32, #tpu.memory_space<vmem>>
      %dma_start3A_130 = arith.constant 0 : i32
      %dma_start3A_131 = tpu.memref_slice %arg3[%add3A_63, %dma_start3A_130] : memref<2664x128xi32, #tpu.memory_space<hbm>> -> memref<48x128xi32, #tpu.memory_space<hbm>>
      tpu.enqueue_dma source(%dma_start3A_131 : memref<48x128xi32, #tpu.memory_space<hbm>>) target(%dma_start3A_129 : memref<48x128xi32, #tpu.memory_space<vmem>>) target_semaphore(%run_scoped3A : memref<!tpu.dma_semaphore, #tpu.memory_space<semaphore_mem>>)
      %dma_wait3A = arith.constant 0 : i32
      %dma_wait3A_132 = arith.constant 0 : i32
      %dma_wait3A_133 = tpu.memref_slice %arg7[%dma_wait3A, %dma_wait3A_132] : memref<56x128xi32, #tpu.memory_space<vmem>> -> memref<48x128xi32, #tpu.memory_space<vmem>>
      %dma_wait3A_134 = arith.constant 0 : i32
      %dma_wait3A_135 = tpu.memref_slice %arg3[%add3A_63, %dma_wait3A_134] : memref<2664x128xi32, #tpu.memory_space<hbm>> -> memref<48x128xi32, #tpu.memory_space<hbm>>
      %dma_wait3A_136 = arith.constant 0 : i32
      %dma_wait3A_137 = arith.constant 0 : i32
      %dma_wait3A_138 = tpu.memref_slice %arg7[%dma_wait3A_136, %dma_wait3A_137] : memref<56x128xi32, #tpu.memory_space<vmem>> -> memref<48x128xi32, #tpu.memory_space<vmem>>
      %dma_wait3A_139 = arith.constant 0 : i32
      %dma_wait3A_140 = tpu.memref_slice %arg3[%add3A_63, %dma_wait3A_139] : memref<2664x128xi32, #tpu.memory_space<hbm>> -> memref<48x128xi32, #tpu.memory_space<hbm>>
      tpu.wait_dma2 semaphore(%run_scoped3A : memref<!tpu.dma_semaphore, #tpu.memory_space<semaphore_mem>>) src(%dma_wait3A_140 : memref<48x128xi32, #tpu.memory_space<hbm>>) dst(%dma_wait3A_138 : memref<48x128xi32, #tpu.memory_space<vmem>>)
      tpu.yield
    }) : () -> ()
    %add3A_64 = arith.constant 56 : i32
    %add3A_65 = arith.addi %select_n3A, %add3A_64 : i32
    "tpu.region"() ({
      %run_scoped3A = tpu.sem_alloc : memref<!tpu.dma_semaphore, #tpu.memory_space<semaphore_mem>>
      %dma_start3A = arith.constant 0 : i32
      %dma_start3A_123 = arith.constant 0 : i32
      %dma_start3A_124 = tpu.memref_slice %arg8[%dma_start3A, %dma_start3A_123] : memref<56x128xi32, #tpu.memory_space<vmem>> -> memref<48x128xi32, #tpu.memory_space<vmem>>
      %dma_start3A_125 = arith.constant 0 : i32
      %dma_start3A_126 = tpu.memref_slice %arg4[%add3A_65, %dma_start3A_125] : memref<2664x128xi32, #tpu.memory_space<hbm>> -> memref<48x128xi32, #tpu.memory_space<hbm>>
      %dma_start3A_127 = arith.constant 0 : i32
      %dma_start3A_128 = arith.constant 0 : i32
      %dma_start3A_129 = tpu.memref_slice %arg8[%dma_start3A_127, %dma_start3A_128] : memref<56x128xi32, #tpu.memory_space<vmem>> -> memref<48x128xi32, #tpu.memory_space<vmem>>
      %dma_start3A_130 = arith.constant 0 : i32
      %dma_start3A_131 = tpu.memref_slice %arg4[%add3A_65, %dma_start3A_130] : memref<2664x128xi32, #tpu.memory_space<hbm>> -> memref<48x128xi32, #tpu.memory_space<hbm>>
      tpu.enqueue_dma source(%dma_start3A_131 : memref<48x128xi32, #tpu.memory_space<hbm>>) target(%dma_start3A_129 : memref<48x128xi32, #tpu.memory_space<vmem>>) target_semaphore(%run_scoped3A : memref<!tpu.dma_semaphore, #tpu.memory_space<semaphore_mem>>)
      %dma_wait3A = arith.constant 0 : i32
      %dma_wait3A_132 = arith.constant 0 : i32
      %dma_wait3A_133 = tpu.memref_slice %arg8[%dma_wait3A, %dma_wait3A_132] : memref<56x128xi32, #tpu.memory_space<vmem>> -> memref<48x128xi32, #tpu.memory_space<vmem>>
      %dma_wait3A_134 = arith.constant 0 : i32
      %dma_wait3A_135 = tpu.memref_slice %arg4[%add3A_65, %dma_wait3A_134] : memref<2664x128xi32, #tpu.memory_space<hbm>> -> memref<48x128xi32, #tpu.memory_space<hbm>>
      %dma_wait3A_136 = arith.constant 0 : i32
      %dma_wait3A_137 = arith.constant 0 : i32
      %dma_wait3A_138 = tpu.memref_slice %arg8[%dma_wait3A_136, %dma_wait3A_137] : memref<56x128xi32, #tpu.memory_space<vmem>> -> memref<48x128xi32, #tpu.memory_space<vmem>>
      %dma_wait3A_139 = arith.constant 0 : i32
      %dma_wait3A_140 = tpu.memref_slice %arg4[%add3A_65, %dma_wait3A_139] : memref<2664x128xi32, #tpu.memory_space<hbm>> -> memref<48x128xi32, #tpu.memory_space<hbm>>
      tpu.wait_dma2 semaphore(%run_scoped3A : memref<!tpu.dma_semaphore, #tpu.memory_space<semaphore_mem>>) src(%dma_wait3A_140 : memref<48x128xi32, #tpu.memory_space<hbm>>) dst(%dma_wait3A_138 : memref<48x128xi32, #tpu.memory_space<vmem>>)
      tpu.yield
    }) : () -> ()
    %sub3A_66 = arith.constant 56 : i32
    %sub3A_67 = arith.subi %select_n3A_45, %sub3A_66 : i32
    %jit3A_68 = arith.constant 0 : i32
    %jit3A_69 = arith.constant 48 : i32
    %max3A_70 = arith.maxsi %jit3A_68, %sub3A_67 : i32
    %min3A_71 = arith.minsi %jit3A_69, %max3A_70 : i32
    %while3A_72 = arith.constant 0 : i32
    %while3A_73 = arith.constant 0 : i32
    %while3A_74 = arith.subi %min3A_71, %while3A_73 : i32
    %while3A_75 = arith.addi %while3A_73, %while3A_74 : i32
    %while3A_76 = arith.constant 1 : i32
    %while3A_77 = arith.divsi %while3A_74, %while3A_76 : i32
    %while3A_78 = arith.muli %while3A_77, %while3A_76 : i32
    %while3A_79 = arith.addi %while3A_73, %while3A_78 : i32
    %while3A_80 = arith.constant 1 : i32
    scf.for %while3A_123 = %while3A_73 to %while3A_79 step %while3A_80  : i32 {
      %dma_start3A = arith.constant 0 : i32
      %dma_start3A_124 = tpu.memref_slice %arg7[%while3A_123, %dma_start3A] : memref<56x128xi32, #tpu.memory_space<vmem>> -> memref<1x128xi32, #tpu.memory_space<vmem>>
      %dma_start3A_125 = tpu.memref_squeeze %dma_start3A_124 : memref<1x128xi32, #tpu.memory_space<vmem>> -> memref<128xi32, #tpu.memory_space<vmem>>
      %dma_start3A_126 = arith.constant 0 : i32
      %dma_start3A_127 = arith.constant 0 : i32
      %dma_start3A_128 = tpu.memref_slice %arg2[%dma_start3A_126, %dma_start3A_127] : memref<10000x128xf32, #tpu.memory_space<hbm>> -> memref<10000x128xf32, #tpu.memory_space<hbm>>
      tpu.enqueue_indirect_dma source(%dma_start3A_128 : memref<10000x128xf32, #tpu.memory_space<hbm>>) target(%arg9 : memref<128x128xf32, #tpu.memory_space<vmem>>) offsets(%dma_start3A_125 : memref<128xi32, #tpu.memory_space<vmem>>) semaphore(%arg12 : memref<!tpu.dma_semaphore, #tpu.memory_space<semaphore_mem>>)
      %dma_wait3A = arith.constant 0 : i32
      %dma_wait3A_129 = tpu.memref_slice %arg7[%while3A_123, %dma_wait3A] : memref<56x128xi32, #tpu.memory_space<vmem>> -> memref<1x128xi32, #tpu.memory_space<vmem>>
      %dma_wait3A_130 = tpu.memref_squeeze %dma_wait3A_129 : memref<1x128xi32, #tpu.memory_space<vmem>> -> memref<128xi32, #tpu.memory_space<vmem>>
      %dma_wait3A_131 = arith.constant 0 : i32
      %dma_wait3A_132 = arith.constant 0 : i32
      %dma_wait3A_133 = tpu.memref_slice %arg2[%dma_wait3A_131, %dma_wait3A_132] : memref<10000x128xf32, #tpu.memory_space<hbm>> -> memref<10000x128xf32, #tpu.memory_space<hbm>>
      tpu.wait_indirect_dma semaphore(%arg12 : memref<!tpu.dma_semaphore, #tpu.memory_space<semaphore_mem>>) src(%dma_wait3A_133 : memref<10000x128xf32, #tpu.memory_space<hbm>>) dst(%arg9 : memref<128x128xf32, #tpu.memory_space<vmem>>)
      %scan3A_134 = arith.constant 0 : i32
      %scan3A_135 = arith.constant 0 : i32
      %scan3A_136 = arith.constant 8 : i32
      %scan3A_137 = arith.addi %scan3A_135, %scan3A_136 : i32
      %scan3A_138 = arith.constant 1 : i32
      scf.for %scan3A_140 = %scan3A_135 to %scan3A_137 step %scan3A_138  : i32 {
        %mul3A_141 = arith.constant 16 : i32
        %mul3A_142 = arith.muli %scan3A_140, %mul3A_141 : i32
        %get3A = arith.index_cast %while3A_123 : i32 to index
        %get3A_143 = arith.index_cast %mul3A_142 : i32 to index
        %get3A_144 = tpu.vector_load %arg8[%get3A, %get3A_143] {strides = array<i32>} : memref<56x128xi32, #tpu.memory_space<vmem>>, vector<16xi32>,
        tpu.vector_store_idx %arg10[%get3A_144], %broadcast_in_dim3A_34 {add = true} : memref<10240xf32, #tpu.memory_space<vmem>>[vector<16xi32>], vector<16xf32>,
      }
      %scan3A_139 = arith.constant 8 : i32
      "tpu.region"() ({
        %run_scoped3A = tpu.sem_alloc : memref<!tpu.dma_semaphore, #tpu.memory_space<semaphore_mem>>
        %dma_start3A_140 = arith.constant 0 : i32
        %dma_start3A_141 = tpu.memref_slice %arg8[%while3A_123, %dma_start3A_140] : memref<56x128xi32, #tpu.memory_space<vmem>> -> memref<1x128xi32, #tpu.memory_space<vmem>>
        %dma_start3A_142 = tpu.memref_squeeze %dma_start3A_141 : memref<1x128xi32, #tpu.memory_space<vmem>> -> memref<128xi32, #tpu.memory_space<vmem>>
        %dma_start3A_143 = arith.constant 0 : i32
        %dma_start3A_144 = arith.constant 0 : i32
        %dma_start3A_145 = tpu.memref_slice %arg11[%dma_start3A_143, %dma_start3A_144] : memref<10240x128xf32, #tpu.memory_space<vmem_shared>> -> memref<10240x128xf32, #tpu.memory_space<vmem_shared>>
        tpu.enqueue_indirect_dma source(%arg9 : memref<128x128xf32, #tpu.memory_space<vmem>>) target(%dma_start3A_145 : memref<10240x128xf32, #tpu.memory_space<vmem_shared>>) offsets(%dma_start3A_142 : memref<128xi32, #tpu.memory_space<vmem>>) semaphore(%run_scoped3A : memref<!tpu.dma_semaphore, #tpu.memory_space<semaphore_mem>>) {add = true}
        %dma_wait3A_146 = arith.constant 0 : i32
        %dma_wait3A_147 = tpu.memref_slice %arg8[%while3A_123, %dma_wait3A_146] : memref<56x128xi32, #tpu.memory_space<vmem>> -> memref<1x128xi32, #tpu.memory_space<vmem>>
        %dma_wait3A_148 = tpu.memref_squeeze %dma_wait3A_147 : memref<1x128xi32, #tpu.memory_space<vmem>> -> memref<128xi32, #tpu.memory_space<vmem>>
        %dma_wait3A_149 = arith.constant 0 : i32
        %dma_wait3A_150 = arith.constant 0 : i32
        %dma_wait3A_151 = tpu.memref_slice %arg11[%dma_wait3A_149, %dma_wait3A_150] : memref<10240x128xf32, #tpu.memory_space<vmem_shared>> -> memref<10240x128xf32, #tpu.memory_space<vmem_shared>>
        tpu.wait_indirect_dma semaphore(%run_scoped3A : memref<!tpu.dma_semaphore, #tpu.memory_space<semaphore_mem>>) src(%arg9 : memref<128x128xf32, #tpu.memory_space<vmem>>) dst(%dma_wait3A_151 : memref<10240x128xf32, #tpu.memory_space<vmem_shared>>)
        tpu.yield
      }) : () -> ()
    }
    %while3A_81 = arith.constant 1 : i32
    scf.for %while3A_123 = %while3A_79 to %while3A_75 step %while3A_81  : i32 {
      %dma_start3A = arith.constant 0 : i32
      %dma_start3A_124 = tpu.memref_slice %arg7[%while3A_123, %dma_start3A] : memref<56x128xi32, #tpu.memory_space<vmem>> -> memref<1x128xi32, #tpu.memory_space<vmem>>
      %dma_start3A_125 = tpu.memref_squeeze %dma_start3A_124 : memref<1x128xi32, #tpu.memory_space<vmem>> -> memref<128xi32, #tpu.memory_space<vmem>>
      %dma_start3A_126 = arith.constant 0 : i32
      %dma_start3A_127 = arith.constant 0 : i32
      %dma_start3A_128 = tpu.memref_slice %arg2[%dma_start3A_126, %dma_start3A_127] : memref<10000x128xf32, #tpu.memory_space<hbm>> -> memref<10000x128xf32, #tpu.memory_space<hbm>>
      tpu.enqueue_indirect_dma source(%dma_start3A_128 : memref<10000x128xf32, #tpu.memory_space<hbm>>) target(%arg9 : memref<128x128xf32, #tpu.memory_space<vmem>>) offsets(%dma_start3A_125 : memref<128xi32, #tpu.memory_space<vmem>>) semaphore(%arg12 : memref<!tpu.dma_semaphore, #tpu.memory_space<semaphore_mem>>)
      %dma_wait3A = arith.constant 0 : i32
      %dma_wait3A_129 = tpu.memref_slice %arg7[%while3A_123, %dma_wait3A] : memref<56x128xi32, #tpu.memory_space<vmem>> -> memref<1x128xi32, #tpu.memory_space<vmem>>
      %dma_wait3A_130 = tpu.memref_squeeze %dma_wait3A_129 : memref<1x128xi32, #tpu.memory_space<vmem>> -> memref<128xi32, #tpu.memory_space<vmem>>
      %dma_wait3A_131 = arith.constant 0 : i32
      %dma_wait3A_132 = arith.constant 0 : i32
      %dma_wait3A_133 = tpu.memref_slice %arg2[%dma_wait3A_131, %dma_wait3A_132] : memref<10000x128xf32, #tpu.memory_space<hbm>> -> memref<10000x128xf32, #tpu.memory_space<hbm>>
      tpu.wait_indirect_dma semaphore(%arg12 : memref<!tpu.dma_semaphore, #tpu.memory_space<semaphore_mem>>) src(%dma_wait3A_133 : memref<10000x128xf32, #tpu.memory_space<hbm>>) dst(%arg9 : memref<128x128xf32, #tpu.memory_space<vmem>>)
      %scan3A_134 = arith.constant 0 : i32
      %scan3A_135 = arith.constant 0 : i32
      %scan3A_136 = arith.constant 8 : i32
      %scan3A_137 = arith.addi %scan3A_135, %scan3A_136 : i32
      %scan3A_138 = arith.constant 1 : i32
      scf.for %scan3A_140 = %scan3A_135 to %scan3A_137 step %scan3A_138  : i32 {
        %mul3A_141 = arith.constant 16 : i32
        %mul3A_142 = arith.muli %scan3A_140, %mul3A_141 : i32
        %get3A = arith.index_cast %while3A_123 : i32 to index
        %get3A_143 = arith.index_cast %mul3A_142 : i32 to index
        %get3A_144 = tpu.vector_load %arg8[%get3A, %get3A_143] {strides = array<i32>} : memref<56x128xi32, #tpu.memory_space<vmem>>, vector<16xi32>,
        tpu.vector_store_idx %arg10[%get3A_144], %broadcast_in_dim3A_34 {add = true} : memref<10240xf32, #tpu.memory_space<vmem>>[vector<16xi32>], vector<16xf32>,
      }
      %scan3A_139 = arith.constant 8 : i32
      "tpu.region"() ({
        %run_scoped3A = tpu.sem_alloc : memref<!tpu.dma_semaphore, #tpu.memory_space<semaphore_mem>>
        %dma_start3A_140 = arith.constant 0 : i32
        %dma_start3A_141 = tpu.memref_slice %arg8[%while3A_123, %dma_start3A_140] : memref<56x128xi32, #tpu.memory_space<vmem>> -> memref<1x128xi32, #tpu.memory_space<vmem>>
        %dma_start3A_142 = tpu.memref_squeeze %dma_start3A_141 : memref<1x128xi32, #tpu.memory_space<vmem>> -> memref<128xi32, #tpu.memory_space<vmem>>
        %dma_start3A_143 = arith.constant 0 : i32
        %dma_start3A_144 = arith.constant 0 : i32
        %dma_start3A_145 = tpu.memref_slice %arg11[%dma_start3A_143, %dma_start3A_144] : memref<10240x128xf32, #tpu.memory_space<vmem_shared>> -> memref<10240x128xf32, #tpu.memory_space<vmem_shared>>
        tpu.enqueue_indirect_dma source(%arg9 : memref<128x128xf32, #tpu.memory_space<vmem>>) target(%dma_start3A_145 : memref<10240x128xf32, #tpu.memory_space<vmem_shared>>) offsets(%dma_start3A_142 : memref<128xi32, #tpu.memory_space<vmem>>) semaphore(%run_scoped3A : memref<!tpu.dma_semaphore, #tpu.memory_space<semaphore_mem>>) {add = true}
        %dma_wait3A_146 = arith.constant 0 : i32
        %dma_wait3A_147 = tpu.memref_slice %arg8[%while3A_123, %dma_wait3A_146] : memref<56x128xi32, #tpu.memory_space<vmem>> -> memref<1x128xi32, #tpu.memory_space<vmem>>
        %dma_wait3A_148 = tpu.memref_squeeze %dma_wait3A_147 : memref<1x128xi32, #tpu.memory_space<vmem>> -> memref<128xi32, #tpu.memory_space<vmem>>
        %dma_wait3A_149 = arith.constant 0 : i32
        %dma_wait3A_150 = arith.constant 0 : i32
        %dma_wait3A_151 = tpu.memref_slice %arg11[%dma_wait3A_149, %dma_wait3A_150] : memref<10240x128xf32, #tpu.memory_space<vmem_shared>> -> memref<10240x128xf32, #tpu.memory_space<vmem_shared>>
        tpu.wait_indirect_dma semaphore(%run_scoped3A : memref<!tpu.dma_semaphore, #tpu.memory_space<semaphore_mem>>) src(%arg9 : memref<128x128xf32, #tpu.memory_space<vmem>>) dst(%dma_wait3A_151 : memref<10240x128xf32, #tpu.memory_space<vmem_shared>>)
        tpu.yield
      }) : () -> ()
    }
    %barrier3A_82 = arith.constant 0 : index
    tpu.barrier barrier_id(%barrier3A_82)
    %mul3A_83 = arith.constant 640 : i32
    %mul3A_84 = arith.muli %arg1, %mul3A_83 : i32
    %add3A_85 = arith.constant 0 : i32
    %add3A_86 = arith.addi %mul3A_84, %add3A_85 : i32
    %mul3A_87 = arith.constant 640 : i32
    %mul3A_88 = arith.muli %arg1, %mul3A_87 : i32
    %add3A_89 = arith.constant 0 : i32
    %add3A_90 = arith.addi %mul3A_88, %add3A_89 : i32
    "tpu.region"() ({
      %run_scoped3A = tpu.sem_alloc : memref<!tpu.dma_semaphore, #tpu.memory_space<semaphore_mem>>
      %dma_start3A = arith.constant 0 : i32
      %dma_start3A_123 = tpu.memref_slice %arg5[%arg0, %add3A_90, %dma_start3A] : memref<2x10240x128xf32, #tpu.memory_space<hbm>> -> memref<1x128x128xf32, #tpu.memory_space<hbm>>
      %dma_start3A_124 = tpu.memref_squeeze %dma_start3A_123 : memref<1x128x128xf32, #tpu.memory_space<hbm>> -> memref<128x128xf32, #tpu.memory_space<hbm>>
      %dma_start3A_125 = arith.constant 0 : i32
      %dma_start3A_126 = tpu.memref_slice %arg11[%add3A_86, %dma_start3A_125] : memref<10240x128xf32, #tpu.memory_space<vmem_shared>> -> memref<128x128xf32, #tpu.memory_space<vmem_shared>>
      tpu.enqueue_dma source(%dma_start3A_126 : memref<128x128xf32, #tpu.memory_space<vmem_shared>>) target(%dma_start3A_124 : memref<128x128xf32, #tpu.memory_space<hbm>>) target_semaphore(%run_scoped3A : memref<!tpu.dma_semaphore, #tpu.memory_space<semaphore_mem>>)
      %dma_wait3A = arith.constant 0 : i32
      %dma_wait3A_127 = tpu.memref_slice %arg5[%arg0, %add3A_90, %dma_wait3A] : memref<2x10240x128xf32, #tpu.memory_space<hbm>> -> memref<1x128x128xf32, #tpu.memory_space<hbm>>
      %dma_wait3A_128 = tpu.memref_squeeze %dma_wait3A_127 : memref<1x128x128xf32, #tpu.memory_space<hbm>> -> memref<128x128xf32, #tpu.memory_space<hbm>>
      %dma_wait3A_129 = arith.constant 0 : i32
      %dma_wait3A_130 = tpu.memref_slice %arg11[%add3A_86, %dma_wait3A_129] : memref<10240x128xf32, #tpu.memory_space<vmem_shared>> -> memref<128x128xf32, #tpu.memory_space<vmem_shared>>
      tpu.wait_dma2 semaphore(%run_scoped3A : memref<!tpu.dma_semaphore, #tpu.memory_space<semaphore_mem>>) src(%dma_wait3A_130 : memref<128x128xf32, #tpu.memory_space<vmem_shared>>) dst(%dma_wait3A_128 : memref<128x128xf32, #tpu.memory_space<hbm>>)
      tpu.yield
    }) : () -> ()
    %mul3A_91 = arith.constant 640 : i32
    %mul3A_92 = arith.muli %arg1, %mul3A_91 : i32
    %add3A_93 = arith.constant 128 : i32
    %add3A_94 = arith.addi %mul3A_92, %add3A_93 : i32
    %mul3A_95 = arith.constant 640 : i32
    %mul3A_96 = arith.muli %arg1, %mul3A_95 : i32
    %add3A_97 = arith.constant 128 : i32
    %add3A_98 = arith.addi %mul3A_96, %add3A_97 : i32
    "tpu.region"() ({
      %run_scoped3A = tpu.sem_alloc : memref<!tpu.dma_semaphore, #tpu.memory_space<semaphore_mem>>
      %dma_start3A = arith.constant 0 : i32
      %dma_start3A_123 = tpu.memref_slice %arg5[%arg0, %add3A_98, %dma_start3A] : memref<2x10240x128xf32, #tpu.memory_space<hbm>> -> memref<1x128x128xf32, #tpu.memory_space<hbm>>
      %dma_start3A_124 = tpu.memref_squeeze %dma_start3A_123 : memref<1x128x128xf32, #tpu.memory_space<hbm>> -> memref<128x128xf32, #tpu.memory_space<hbm>>
      %dma_start3A_125 = arith.constant 0 : i32
      %dma_start3A_126 = tpu.memref_slice %arg11[%add3A_94, %dma_start3A_125] : memref<10240x128xf32, #tpu.memory_space<vmem_shared>> -> memref<128x128xf32, #tpu.memory_space<vmem_shared>>
      tpu.enqueue_dma source(%dma_start3A_126 : memref<128x128xf32, #tpu.memory_space<vmem_shared>>) target(%dma_start3A_124 : memref<128x128xf32, #tpu.memory_space<hbm>>) target_semaphore(%run_scoped3A : memref<!tpu.dma_semaphore, #tpu.memory_space<semaphore_mem>>)
      %dma_wait3A = arith.constant 0 : i32
      %dma_wait3A_127 = tpu.memref_slice %arg5[%arg0, %add3A_98, %dma_wait3A] : memref<2x10240x128xf32, #tpu.memory_space<hbm>> -> memref<1x128x128xf32, #tpu.memory_space<hbm>>
      %dma_wait3A_128 = tpu.memref_squeeze %dma_wait3A_127 : memref<1x128x128xf32, #tpu.memory_space<hbm>> -> memref<128x128xf32, #tpu.memory_space<hbm>>
      %dma_wait3A_129 = arith.constant 0 : i32
      %dma_wait3A_130 = tpu.memref_slice %arg11[%add3A_94, %dma_wait3A_129] : memref<10240x128xf32, #tpu.memory_space<vmem_shared>> -> memref<128x128xf32, #tpu.memory_space<vmem_shared>>
      tpu.wait_dma2 semaphore(%run_scoped3A : memref<!tpu.dma_semaphore, #tpu.memory_space<semaphore_mem>>) src(%dma_wait3A_130 : memref<128x128xf32, #tpu.memory_space<vmem_shared>>) dst(%dma_wait3A_128 : memref<128x128xf32, #tpu.memory_space<hbm>>)
      tpu.yield
    }) : () -> ()
    %mul3A_99 = arith.constant 640 : i32
    %mul3A_100 = arith.muli %arg1, %mul3A_99 : i32
    %add3A_101 = arith.constant 256 : i32
    %add3A_102 = arith.addi %mul3A_100, %add3A_101 : i32
    %mul3A_103 = arith.constant 640 : i32
    %mul3A_104 = arith.muli %arg1, %mul3A_103 : i32
    %add3A_105 = arith.constant 256 : i32
    %add3A_106 = arith.addi %mul3A_104, %add3A_105 : i32
    "tpu.region"() ({
      %run_scoped3A = tpu.sem_alloc : memref<!tpu.dma_semaphore, #tpu.memory_space<semaphore_mem>>
      %dma_start3A = arith.constant 0 : i32
      %dma_start3A_123 = tpu.memref_slice %arg5[%arg0, %add3A_106, %dma_start3A] : memref<2x10240x128xf32, #tpu.memory_space<hbm>> -> memref<1x128x128xf32, #tpu.memory_space<hbm>>
      %dma_start3A_124 = tpu.memref_squeeze %dma_start3A_123 : memref<1x128x128xf32, #tpu.memory_space<hbm>> -> memref<128x128xf32, #tpu.memory_space<hbm>>
      %dma_start3A_125 = arith.constant 0 : i32
      %dma_start3A_126 = tpu.memref_slice %arg11[%add3A_102, %dma_start3A_125] : memref<10240x128xf32, #tpu.memory_space<vmem_shared>> -> memref<128x128xf32, #tpu.memory_space<vmem_shared>>
      tpu.enqueue_dma source(%dma_start3A_126 : memref<128x128xf32, #tpu.memory_space<vmem_shared>>) target(%dma_start3A_124 : memref<128x128xf32, #tpu.memory_space<hbm>>) target_semaphore(%run_scoped3A : memref<!tpu.dma_semaphore, #tpu.memory_space<semaphore_mem>>)
      %dma_wait3A = arith.constant 0 : i32
      %dma_wait3A_127 = tpu.memref_slice %arg5[%arg0, %add3A_106, %dma_wait3A] : memref<2x10240x128xf32, #tpu.memory_space<hbm>> -> memref<1x128x128xf32, #tpu.memory_space<hbm>>
      %dma_wait3A_128 = tpu.memref_squeeze %dma_wait3A_127 : memref<1x128x128xf32, #tpu.memory_space<hbm>> -> memref<128x128xf32, #tpu.memory_space<hbm>>
      %dma_wait3A_129 = arith.constant 0 : i32
      %dma_wait3A_130 = tpu.memref_slice %arg11[%add3A_102, %dma_wait3A_129] : memref<10240x128xf32, #tpu.memory_space<vmem_shared>> -> memref<128x128xf32, #tpu.memory_space<vmem_shared>>
      tpu.wait_dma2 semaphore(%run_scoped3A : memref<!tpu.dma_semaphore, #tpu.memory_space<semaphore_mem>>) src(%dma_wait3A_130 : memref<128x128xf32, #tpu.memory_space<vmem_shared>>) dst(%dma_wait3A_128 : memref<128x128xf32, #tpu.memory_space<hbm>>)
      tpu.yield
    }) : () -> ()
    %mul3A_107 = arith.constant 640 : i32
    %mul3A_108 = arith.muli %arg1, %mul3A_107 : i32
    %add3A_109 = arith.constant 384 : i32
    %add3A_110 = arith.addi %mul3A_108, %add3A_109 : i32
    %mul3A_111 = arith.constant 640 : i32
    %mul3A_112 = arith.muli %arg1, %mul3A_111 : i32
    %add3A_113 = arith.constant 384 : i32
    %add3A_114 = arith.addi %mul3A_112, %add3A_113 : i32
    "tpu.region"() ({
      %run_scoped3A = tpu.sem_alloc : memref<!tpu.dma_semaphore, #tpu.memory_space<semaphore_mem>>
      %dma_start3A = arith.constant 0 : i32
      %dma_start3A_123 = tpu.memref_slice %arg5[%arg0, %add3A_114, %dma_start3A] : memref<2x10240x128xf32, #tpu.memory_space<hbm>> -> memref<1x128x128xf32, #tpu.memory_space<hbm>>
      %dma_start3A_124 = tpu.memref_squeeze %dma_start3A_123 : memref<1x128x128xf32, #tpu.memory_space<hbm>> -> memref<128x128xf32, #tpu.memory_space<hbm>>
      %dma_start3A_125 = arith.constant 0 : i32
      %dma_start3A_126 = tpu.memref_slice %arg11[%add3A_110, %dma_start3A_125] : memref<10240x128xf32, #tpu.memory_space<vmem_shared>> -> memref<128x128xf32, #tpu.memory_space<vmem_shared>>
      tpu.enqueue_dma source(%dma_start3A_126 : memref<128x128xf32, #tpu.memory_space<vmem_shared>>) target(%dma_start3A_124 : memref<128x128xf32, #tpu.memory_space<hbm>>) target_semaphore(%run_scoped3A : memref<!tpu.dma_semaphore, #tpu.memory_space<semaphore_mem>>)
      %dma_wait3A = arith.constant 0 : i32
      %dma_wait3A_127 = tpu.memref_slice %arg5[%arg0, %add3A_114, %dma_wait3A] : memref<2x10240x128xf32, #tpu.memory_space<hbm>> -> memref<1x128x128xf32, #tpu.memory_space<hbm>>
      %dma_wait3A_128 = tpu.memref_squeeze %dma_wait3A_127 : memref<1x128x128xf32, #tpu.memory_space<hbm>> -> memref<128x128xf32, #tpu.memory_space<hbm>>
      %dma_wait3A_129 = arith.constant 0 : i32
      %dma_wait3A_130 = tpu.memref_slice %arg11[%add3A_110, %dma_wait3A_129] : memref<10240x128xf32, #tpu.memory_space<vmem_shared>> -> memref<128x128xf32, #tpu.memory_space<vmem_shared>>
      tpu.wait_dma2 semaphore(%run_scoped3A : memref<!tpu.dma_semaphore, #tpu.memory_space<semaphore_mem>>) src(%dma_wait3A_130 : memref<128x128xf32, #tpu.memory_space<vmem_shared>>) dst(%dma_wait3A_128 : memref<128x128xf32, #tpu.memory_space<hbm>>)
      tpu.yield
    }) : () -> ()
    %mul3A_115 = arith.constant 640 : i32
    %mul3A_116 = arith.muli %arg1, %mul3A_115 : i32
    %add3A_117 = arith.constant 512 : i32
    %add3A_118 = arith.addi %mul3A_116, %add3A_117 : i32
    %mul3A_119 = arith.constant 640 : i32
    %mul3A_120 = arith.muli %arg1, %mul3A_119 : i32
    %add3A_121 = arith.constant 512 : i32
    %add3A_122 = arith.addi %mul3A_120, %add3A_121 : i32
    "tpu.region"() ({
      %run_scoped3A = tpu.sem_alloc : memref<!tpu.dma_semaphore, #tpu.memory_space<semaphore_mem>>
      %dma_start3A = arith.constant 0 : i32
      %dma_start3A_123 = tpu.memref_slice %arg5[%arg0, %add3A_122, %dma_start3A] : memref<2x10240x128xf32, #tpu.memory_space<hbm>> -> memref<1x128x128xf32, #tpu.memory_space<hbm>>
      %dma_start3A_124 = tpu.memref_squeeze %dma_start3A_123 : memref<1x128x128xf32, #tpu.memory_space<hbm>> -> memref<128x128xf32, #tpu.memory_space<hbm>>
      %dma_start3A_125 = arith.constant 0 : i32
      %dma_start3A_126 = tpu.memref_slice %arg11[%add3A_118, %dma_start3A_125] : memref<10240x128xf32, #tpu.memory_space<vmem_shared>> -> memref<128x128xf32, #tpu.memory_space<vmem_shared>>
      tpu.enqueue_dma source(%dma_start3A_126 : memref<128x128xf32, #tpu.memory_space<vmem_shared>>) target(%dma_start3A_124 : memref<128x128xf32, #tpu.memory_space<hbm>>) target_semaphore(%run_scoped3A : memref<!tpu.dma_semaphore, #tpu.memory_space<semaphore_mem>>)
      %dma_wait3A = arith.constant 0 : i32
      %dma_wait3A_127 = tpu.memref_slice %arg5[%arg0, %add3A_122, %dma_wait3A] : memref<2x10240x128xf32, #tpu.memory_space<hbm>> -> memref<1x128x128xf32, #tpu.memory_space<hbm>>
      %dma_wait3A_128 = tpu.memref_squeeze %dma_wait3A_127 : memref<1x128x128xf32, #tpu.memory_space<hbm>> -> memref<128x128xf32, #tpu.memory_space<hbm>>
      %dma_wait3A_129 = arith.constant 0 : i32
      %dma_wait3A_130 = tpu.memref_slice %arg11[%add3A_118, %dma_wait3A_129] : memref<10240x128xf32, #tpu.memory_space<vmem_shared>> -> memref<128x128xf32, #tpu.memory_space<vmem_shared>>
      tpu.wait_dma2 semaphore(%run_scoped3A : memref<!tpu.dma_semaphore, #tpu.memory_space<semaphore_mem>>) src(%dma_wait3A_130 : memref<128x128xf32, #tpu.memory_space<vmem_shared>>) dst(%dma_wait3A_128 : memref<128x128xf32, #tpu.memory_space<hbm>>)
      tpu.yield
    }) : () -> ()
    "tpu.region"() ({
      %run_scoped3A = tpu.sem_alloc : memref<!tpu.dma_semaphore, #tpu.memory_space<semaphore_mem>>
      %dma_start3A = arith.constant 0 : i32
      %dma_start3A_123 = tpu.memref_slice %arg6[%add3A, %dma_start3A] : memref<32x10240xf32, #tpu.memory_space<hbm>> -> memref<1x10240xf32, #tpu.memory_space<hbm>>
      %dma_start3A_124 = tpu.memref_squeeze %dma_start3A_123 : memref<1x10240xf32, #tpu.memory_space<hbm>> -> memref<10240xf32, #tpu.memory_space<hbm>>
      %dma_start3A_125 = arith.constant 0 : i32
      %dma_start3A_126 = tpu.memref_slice %arg6[%add3A, %dma_start3A_125] : memref<32x10240xf32, #tpu.memory_space<hbm>> -> memref<1x10240xf32, #tpu.memory_space<hbm>>
      %dma_start3A_127 = tpu.memref_squeeze %dma_start3A_126 : memref<1x10240xf32, #tpu.memory_space<hbm>> -> memref<10240xf32, #tpu.memory_space<hbm>>
      tpu.enqueue_dma source(%arg10 : memref<10240xf32, #tpu.memory_space<vmem>>) target(%dma_start3A_127 : memref<10240xf32, #tpu.memory_space<hbm>>) target_semaphore(%run_scoped3A : memref<!tpu.dma_semaphore, #tpu.memory_space<semaphore_mem>>)
      %dma_wait3A = arith.constant 0 : i32
      %dma_wait3A_128 = tpu.memref_slice %arg6[%add3A, %dma_wait3A] : memref<32x10240xf32, #tpu.memory_space<hbm>> -> memref<1x10240xf32, #tpu.memory_space<hbm>>
      %dma_wait3A_129 = tpu.memref_squeeze %dma_wait3A_128 : memref<1x10240xf32, #tpu.memory_space<hbm>> -> memref<10240xf32, #tpu.memory_space<hbm>>
      %dma_wait3A_130 = arith.constant 0 : i32
      %dma_wait3A_131 = tpu.memref_slice %arg6[%add3A, %dma_wait3A_130] : memref<32x10240xf32, #tpu.memory_space<hbm>> -> memref<1x10240xf32, #tpu.memory_space<hbm>>
      %dma_wait3A_132 = tpu.memref_squeeze %dma_wait3A_131 : memref<1x10240xf32, #tpu.memory_space<hbm>> -> memref<10240xf32, #tpu.memory_space<hbm>>
      tpu.wait_dma2 semaphore(%run_scoped3A : memref<!tpu.dma_semaphore, #tpu.memory_space<semaphore_mem>>) src(%arg10 : memref<10240xf32, #tpu.memory_space<vmem>>) dst(%dma_wait3A_132 : memref<10240xf32, #tpu.memory_space<hbm>>)
      tpu.yield
    }) : () -> ()
    return
  }
}

module attributes {stable_mosaic.version = 14 : i64} {
  func.func @_norm_body(%arg0: i32, %arg1: memref<1000x128xf32, #tpu.memory_space<vmem>>, %arg2: memref<1000x128xf32, #tpu.memory_space<vmem>>) attributes {dimension_semantics = [#tpu.dimension_semantics<arbitrary>], iteration_bounds = array<i64: 10>, scalar_prefetch = 0 : i64, scratch_operands = 0 : i64, tpu.core_type = #tpu.core_type<tc>, window_params = [{transform_indices = @transform_0, window_bounds = array<i64: 1000, 128>}, {transform_indices = @transform_1, window_bounds = array<i64: 1000, 128>}]} {
    %get3A = arith.constant 0 : index
    %get3A_0 = arith.constant 0 : index
    %get3A_1 = vector.load %arg1[%get3A, %get3A_0] : memref<1000x128xf32, #tpu.memory_space<vmem>>, vector<1000x128xf32>
    %reduce_sum3A = arith.constant dense<0.000000e+00> : vector<1000xf32>
    %reduce_sum3A_2 = vector.multi_reduction <add>, %get3A_1, %reduce_sum3A [1] : vector<1000x128xf32> to vector<1000xf32>
    %broadcast_in_dim3A = vector.shape_cast %reduce_sum3A_2 : vector<1000xf32> to vector<1000x1xf32>
    %ne3A = arith.constant 0.000000e+00 : f32
    %ne3A_3 = vector.broadcast %ne3A : f32 to vector<1000x1xf32>
    %ne3A_4 = arith.cmpf one, %broadcast_in_dim3A, %ne3A_3 : vector<1000x1xf32>
    %div3A = arith.constant 1.000000e+00 : f32
    %div3A_5 = vector.broadcast %div3A : f32 to vector<1000x1xf32>
    %div3A_6 = arith.divf %div3A_5, %broadcast_in_dim3A : vector<1000x1xf32>
    %jit3A = arith.constant 0.000000e+00 : f32
    %broadcast_in_dim3A_7 = vector.broadcast %jit3A : f32 to vector<1000x1xf32>
    %select_n3A = arith.select %ne3A_4, %div3A_6, %broadcast_in_dim3A_7 : vector<1000x1xi1>, vector<1000x1xf32>
    %mul3A = vector.broadcast %select_n3A : vector<1000x1xf32> to vector<1000x128xf32>
    %mul3A_8 = arith.mulf %get3A_1, %mul3A : vector<1000x128xf32>
    %swap3A = arith.constant 0 : index
    %swap3A_9 = arith.constant 0 : index
    %swap3A_10 = vector.load %arg2[%swap3A, %swap3A_9] : memref<1000x128xf32, #tpu.memory_space<vmem>>, vector<1000x128xf32>
    tpu.vector_store %arg2[%swap3A, %swap3A_9], %mul3A_8 {strides = array<i32>} : memref<1000x128xf32, #tpu.memory_space<vmem>>, vector<1000x128xf32>,
    return
  }
  func.func @transform_0(%arg0: i32) -> (i32, i32) {
    %c0_i32 = arith.constant 0 : i32
    %c0_i32_0 = arith.constant 0 : i32
    return %arg0, %c0_i32 : i32, i32
  }
  func.func @transform_1(%arg0: i32) -> (i32, i32) {
    %c0_i32 = arith.constant 0 : i32
    %c0_i32_0 = arith.constant 0 : i32
    return %arg0, %c0_i32 : i32, i32
  }
}

module attributes {stable_mosaic.version = 14 : i64} {
  func.func @_dense_body(%arg0: i32, %arg1: memref<1000x128xf32, #tpu.memory_space<vmem>>, %arg2: memref<1000x128xf32, #tpu.memory_space<vmem>>, %arg3: memref<1000x128xf32, #tpu.memory_space<vmem>>, %arg4: memref<1000x32xf32, #tpu.memory_space<vmem>>, %arg5: memref<1x1x1000xi32, #tpu.memory_space<vmem>>, %arg6: memref<128x128xf32, #tpu.memory_space<vmem>>, %arg7: memref<128x128xf32, #tpu.memory_space<vmem>>, %arg8: memref<128x256xf32, #tpu.memory_space<vmem>>, %arg9: memref<1x128xf32, #tpu.memory_space<vmem>>, %arg10: memref<128x128xf32, #tpu.memory_space<vmem>>, %arg11: memref<1x128xf32, #tpu.memory_space<vmem>>, %arg12: memref<16x128xf32, #tpu.memory_space<vmem>>, %arg13: memref<16x128xf32, #tpu.memory_space<vmem>>) attributes {dimension_semantics = [#tpu.dimension_semantics<arbitrary>], iteration_bounds = array<i64: 10>, scalar_prefetch = 0 : i64, scratch_operands = 1 : i64, tpu.core_type = #tpu.core_type<tc>, window_params = [{transform_indices = @transform_0, window_bounds = array<i64: 1000, 128>}, {transform_indices = @transform_1, window_bounds = array<i64: 1000, 128>}, {transform_indices = @transform_2, window_bounds = array<i64: 1000, 128>}, {transform_indices = @transform_3, window_bounds = array<i64: 1000, 32>}, {transform_indices = @transform_4, window_bounds = array<i64: 1, 1, 1000>}, {pipeline_mode = #tpu.pipeline_mode<synchronous>, transform_indices = @transform_5, window_bounds = array<i64: 128, 128>}, {pipeline_mode = #tpu.pipeline_mode<synchronous>, transform_indices = @transform_6, window_bounds = array<i64: 128, 128>}, {pipeline_mode = #tpu.pipeline_mode<synchronous>, transform_indices = @transform_7, window_bounds = array<i64: 128, 256>}, {pipeline_mode = #tpu.pipeline_mode<synchronous>, transform_indices = @transform_8, window_bounds = array<i64: 1, 128>}, {pipeline_mode = #tpu.pipeline_mode<synchronous>, transform_indices = @transform_9, window_bounds = array<i64: 128, 128>}, {pipeline_mode = #tpu.pipeline_mode<synchronous>, transform_indices = @transform_10, window_bounds = array<i64: 1, 128>}, {pipeline_mode = #tpu.pipeline_mode<synchronous>, transform_indices = @transform_11, window_bounds = array<i64: 16, 128>}]} {
    %eq3A = arith.constant 0 : i32
    %eq3A_0 = arith.cmpi eq, %arg0, %eq3A : i32
    %convert_element_type3A = arith.extui %eq3A_0 : i1 to i32
    %cond3A = arith.constant 0 : i32
    %cond3A_1 = arith.cmpi ne, %convert_element_type3A, %cond3A : i32
    scf.if %cond3A_1 {
      %broadcast_in_dim3A_86 = arith.constant 0.000000e+00 : f32
      %broadcast_in_dim3A_87 = vector.broadcast %broadcast_in_dim3A_86 : f32 to vector<16x128xf32>
      %swap3A_88 = arith.constant 0 : index
      %swap3A_89 = arith.constant 0 : index
      %swap3A_90 = vector.load %arg13[%swap3A_88, %swap3A_89] : memref<16x128xf32, #tpu.memory_space<vmem>>, vector<16x128xf32>
      tpu.vector_store %arg13[%swap3A_88, %swap3A_89], %broadcast_in_dim3A_87 {strides = array<i32>} : memref<16x128xf32, #tpu.memory_space<vmem>>, vector<16x128xf32>,
    } else {
    }
    %get3A = arith.constant 0 : index
    %get3A_2 = arith.constant 0 : index
    %get3A_3 = vector.load %arg1[%get3A, %get3A_2] : memref<1000x128xf32, #tpu.memory_space<vmem>>, vector<1000x128xf32>
    %get3A_4 = arith.constant 0 : index
    %get3A_5 = arith.constant 0 : index
    %get3A_6 = vector.load %arg4[%get3A_4, %get3A_5] : memref<1000x32xf32, #tpu.memory_space<vmem>>, vector<1000x32xf32>
    %reduce_sum3A = arith.constant dense<0.000000e+00> : vector<1000xf32>
    %reduce_sum3A_7 = vector.multi_reduction <add>, %get3A_6, %reduce_sum3A [1] : vector<1000x32xf32> to vector<1000xf32>
    %get3A_8 = arith.constant 0 : index
    %get3A_9 = arith.constant 0 : index
    %get3A_10 = vector.load %arg2[%get3A_8, %get3A_9] : memref<1000x128xf32, #tpu.memory_space<vmem>>, vector<1000x128xf32>
    %get3A_11 = arith.constant 0 : index
    %get3A_12 = arith.constant 0 : index
    %get3A_13 = vector.load %arg3[%get3A_11, %get3A_12] : memref<1000x128xf32, #tpu.memory_space<vmem>>, vector<1000x128xf32>
    %add3A = arith.addf %get3A_10, %get3A_13 : vector<1000x128xf32>
    %max3A = arith.constant 1.000000e+00 : f32
    %max3A_14 = vector.broadcast %max3A : f32 to vector<1000xf32>
    %max3A_15 = arith.maximumf %reduce_sum3A_7, %max3A_14 : vector<1000xf32>
    %broadcast_in_dim3A = vector.shape_cast %max3A_15 : vector<1000xf32> to vector<1000x1xf32>
    %div3A = vector.broadcast %broadcast_in_dim3A : vector<1000x1xf32> to vector<1000x128xf32>
    %div3A_16 = arith.divf %add3A, %div3A : vector<1000x128xf32>
    %get3A_17 = arith.constant 0 : index
    %get3A_18 = arith.constant 0 : index
    %get3A_19 = vector.load %arg6[%get3A_17, %get3A_18] : memref<128x128xf32, #tpu.memory_space<vmem>>, vector<128x128xf32>
    %dot_general3A = arith.constant dense<0.000000e+00> : vector<1000x128xf32>
    %dot_general3A_20 = tpu.matmul %div3A_16, %get3A_19, %dot_general3A {dimension_numbers = #tpu.dot_dimension_numbers<[1], [1], [0], [0], [0, 0, 1, 0], [], []>, transpose_lhs_hint = false} : vector<1000x128xf32>, vector<128x128xf32>, vector<1000x128xf32> -> vector<1000x128xf32>
    %get3A_21 = arith.constant 0 : index
    %get3A_22 = arith.constant 0 : index
    %get3A_23 = vector.load %arg7[%get3A_21, %get3A_22] : memref<128x128xf32, #tpu.memory_space<vmem>>, vector<128x128xf32>
    %dot_general3A_24 = arith.constant dense<0.000000e+00> : vector<1000x128xf32>
    %dot_general3A_25 = tpu.matmul %get3A_3, %get3A_23, %dot_general3A_24 {dimension_numbers = #tpu.dot_dimension_numbers<[1], [1], [0], [0], [0, 0, 1, 0], [], []>, transpose_lhs_hint = false} : vector<1000x128xf32>, vector<128x128xf32>, vector<1000x128xf32> -> vector<1000x128xf32>
    %add3A_26 = arith.addf %dot_general3A_20, %dot_general3A_25 : vector<1000x128xf32>
    %mul3A = arith.mulf %add3A_26, %add3A_26 : vector<1000x128xf32>
    %reduce_sum3A_27 = arith.constant dense<0.000000e+00> : vector<1000xf32>
    %reduce_sum3A_28 = vector.multi_reduction <add>, %mul3A, %reduce_sum3A_27 [1] : vector<1000x128xf32> to vector<1000xf32>
    %broadcast_in_dim3A_29 = vector.shape_cast %reduce_sum3A_28 : vector<1000xf32> to vector<1000x1xf32>
    %sqrt3A = math.sqrt %broadcast_in_dim3A_29 : vector<1000x1xf32>
    %max3A_30 = arith.constant 9.99999996E-13 : f32
    %max3A_31 = vector.broadcast %max3A_30 : f32 to vector<1000x1xf32>
    %max3A_32 = arith.maximumf %sqrt3A, %max3A_31 : vector<1000x1xf32>
    %div3A_33 = vector.broadcast %max3A_32 : vector<1000x1xf32> to vector<1000x128xf32>
    %div3A_34 = arith.divf %add3A_26, %div3A_33 : vector<1000x128xf32>
    %ge3A = arith.constant 0.000000e+00 : f32
    %ge3A_35 = vector.broadcast %ge3A : f32 to vector<1000x128xf32>
    %ge3A_36 = arith.cmpf oge, %div3A_34, %ge3A_35 : vector<1000x128xf32>
    %mul3A_37 = arith.constant 0.00999999977 : f32
    %mul3A_38 = vector.broadcast %mul3A_37 : f32 to vector<1000x128xf32>
    %mul3A_39 = arith.mulf %mul3A_38, %div3A_34 : vector<1000x128xf32>
    %select_n3A = arith.select %ge3A_36, %div3A_34, %mul3A_39 : vector<1000x128xi1>, vector<1000x128xf32>
    %get3A_40 = arith.constant 0 : index
    %get3A_41 = arith.constant 0 : index
    %get3A_42 = vector.load %arg8[%get3A_40, %get3A_41] : memref<128x256xf32, #tpu.memory_space<vmem>>, vector<128x128xf32>
    %dot_general3A_43 = arith.constant dense<0.000000e+00> : vector<1000x128xf32>
    %dot_general3A_44 = tpu.matmul %select_n3A, %get3A_42, %dot_general3A_43 {dimension_numbers = #tpu.dot_dimension_numbers<[1], [1], [0], [0], [0, 0, 1, 0], [], []>, transpose_lhs_hint = false} : vector<1000x128xf32>, vector<128x128xf32>, vector<1000x128xf32> -> vector<1000x128xf32>
    %get3A_45 = arith.constant 0 : index
    %get3A_46 = arith.constant 128 : index
    %get3A_47 = vector.load %arg8[%get3A_45, %get3A_46] : memref<128x256xf32, #tpu.memory_space<vmem>>, vector<128x128xf32>
    %dot_general3A_48 = arith.constant dense<0.000000e+00> : vector<1000x128xf32>
    %dot_general3A_49 = tpu.matmul %get3A_3, %get3A_47, %dot_general3A_48 {dimension_numbers = #tpu.dot_dimension_numbers<[1], [1], [0], [0], [0, 0, 1, 0], [], []>, transpose_lhs_hint = false} : vector<1000x128xf32>, vector<128x128xf32>, vector<1000x128xf32> -> vector<1000x128xf32>
    %add3A_50 = arith.addf %dot_general3A_44, %dot_general3A_49 : vector<1000x128xf32>
    %get3A_51 = arith.constant 0 : index
    %get3A_52 = arith.constant 0 : index
    %get3A_53 = vector.load %arg9[%get3A_51, %get3A_52] : memref<1x128xf32, #tpu.memory_space<vmem>>, vector<1x128xf32>
    %add3A_54 = vector.broadcast %get3A_53 : vector<1x128xf32> to vector<1000x128xf32>
    %add3A_55 = arith.addf %add3A_50, %add3A_54 : vector<1000x128xf32>
    %ge3A_56 = arith.constant 0.000000e+00 : f32
    %ge3A_57 = vector.broadcast %ge3A_56 : f32 to vector<1000x128xf32>
    %ge3A_58 = arith.cmpf oge, %add3A_55, %ge3A_57 : vector<1000x128xf32>
    %mul3A_59 = arith.constant 0.00999999977 : f32
    %mul3A_60 = vector.broadcast %mul3A_59 : f32 to vector<1000x128xf32>
    %mul3A_61 = arith.mulf %mul3A_60, %add3A_55 : vector<1000x128xf32>
    %select_n3A_62 = arith.select %ge3A_58, %add3A_55, %mul3A_61 : vector<1000x128xi1>, vector<1000x128xf32>
    %get3A_63 = arith.constant 0 : index
    %get3A_64 = arith.constant 0 : index
    %get3A_65 = arith.constant 0 : index
    %get3A_66 = vector.load %arg5[%get3A_63, %get3A_64, %get3A_65] : memref<1x1x1000xi32, #tpu.memory_space<vmem>>, vector<1x1x1000xi32>
    %get3A_67 = vector.shape_cast %get3A_66 : vector<1x1x1000xi32> to vector<1000xi32>
    %iota3A = tpu.iota {dimensions = array<i32: 0>} : vector<16x1000xi32>
    %broadcast_in_dim3A_68 = vector.shape_cast %get3A_67 : vector<1000xi32> to vector<1x1000xi32>
    %eq3A_69 = vector.broadcast %broadcast_in_dim3A_68 : vector<1x1000xi32> to vector<16x1000xi32>
    %eq3A_70 = arith.cmpi eq, %iota3A, %eq3A_69 : vector<16x1000xi32>
    %convert_element_type3A_71 = arith.extui %eq3A_70 : vector<16x1000xi1> to vector<16x1000xi32>
    %convert_element_type3A_72 = arith.sitofp %convert_element_type3A_71 : vector<16x1000xi32> to vector<16x1000xf32>
    %get3A_73 = arith.constant 0 : index
    %get3A_74 = arith.constant 0 : index
    %get3A_75 = vector.load %arg13[%get3A_73, %get3A_74] : memref<16x128xf32, #tpu.memory_space<vmem>>, vector<16x128xf32>
    %dot_general3A_76 = arith.constant dense<0.000000e+00> : vector<16x128xf32>
    %dot_general3A_77 = tpu.matmul %convert_element_type3A_72, %select_n3A_62, %dot_general3A_76 {dimension_numbers = #tpu.dot_dimension_numbers<[1], [0], [0], [1], [0, 0, 1, 1], [], []>, transpose_lhs_hint = false} : vector<16x1000xf32>, vector<1000x128xf32>, vector<16x128xf32> -> vector<16x128xf32>
    %add3A_78 = arith.addf %get3A_75, %dot_general3A_77 : vector<16x128xf32>
    %swap3A = arith.constant 0 : index
    %swap3A_79 = arith.constant 0 : index
    %swap3A_80 = vector.load %arg13[%swap3A, %swap3A_79] : memref<16x128xf32, #tpu.memory_space<vmem>>, vector<16x128xf32>
    tpu.vector_store %arg13[%swap3A, %swap3A_79], %add3A_78 {strides = array<i32>} : memref<16x128xf32, #tpu.memory_space<vmem>>, vector<16x128xf32>,
    %eq3A_81 = arith.constant 9 : i32
    %eq3A_82 = arith.cmpi eq, %arg0, %eq3A_81 : i32
    %convert_element_type3A_83 = arith.extui %eq3A_82 : i1 to i32
    %cond3A_84 = arith.constant 0 : i32
    %cond3A_85 = arith.cmpi ne, %convert_element_type3A_83, %cond3A_84 : i32
    scf.if %cond3A_85 {
      %get3A_86 = arith.constant 0 : index
      %get3A_87 = arith.constant 0 : index
      %get3A_88 = vector.load %arg13[%get3A_86, %get3A_87] : memref<16x128xf32, #tpu.memory_space<vmem>>, vector<16x128xf32>
      %get3A_89 = arith.constant 0 : index
      %get3A_90 = arith.constant 0 : index
      %get3A_91 = vector.load %arg10[%get3A_89, %get3A_90] : memref<128x128xf32, #tpu.memory_space<vmem>>, vector<128x128xf32>
      %dot_general3A_92 = arith.constant dense<0.000000e+00> : vector<16x128xf32>
      %dot_general3A_93 = tpu.matmul %get3A_88, %get3A_91, %dot_general3A_92 {dimension_numbers = #tpu.dot_dimension_numbers<[1], [1], [0], [0], [0, 0, 1, 0], [], []>, transpose_lhs_hint = false} : vector<16x128xf32>, vector<128x128xf32>, vector<16x128xf32> -> vector<16x128xf32>
      %get3A_94 = arith.constant 0 : index
      %get3A_95 = arith.constant 0 : index
      %get3A_96 = vector.load %arg11[%get3A_94, %get3A_95] : memref<1x128xf32, #tpu.memory_space<vmem>>, vector<1x128xf32>
      %add3A_97 = vector.broadcast %get3A_96 : vector<1x128xf32> to vector<16x128xf32>
      %add3A_98 = arith.addf %dot_general3A_93, %add3A_97 : vector<16x128xf32>
      %ge3A_99 = arith.constant 0.000000e+00 : f32
      %ge3A_100 = vector.broadcast %ge3A_99 : f32 to vector<16x128xf32>
      %ge3A_101 = arith.cmpf oge, %add3A_98, %ge3A_100 : vector<16x128xf32>
      %mul3A_102 = arith.constant 0.00999999977 : f32
      %mul3A_103 = vector.broadcast %mul3A_102 : f32 to vector<16x128xf32>
      %mul3A_104 = arith.mulf %mul3A_103, %add3A_98 : vector<16x128xf32>
      %select_n3A_105 = arith.select %ge3A_101, %add3A_98, %mul3A_104 : vector<16x128xi1>, vector<16x128xf32>
      %mul3A_106 = arith.mulf %select_n3A_105, %select_n3A_105 : vector<16x128xf32>
      %reduce_sum3A_107 = arith.constant dense<0.000000e+00> : vector<16xf32>
      %reduce_sum3A_108 = vector.multi_reduction <add>, %mul3A_106, %reduce_sum3A_107 [1] : vector<16x128xf32> to vector<16xf32>
      %broadcast_in_dim3A_109 = vector.shape_cast %reduce_sum3A_108 : vector<16xf32> to vector<16x1xf32>
      %sqrt3A_110 = math.sqrt %broadcast_in_dim3A_109 : vector<16x1xf32>
      %max3A_111 = arith.constant 9.99999996E-13 : f32
      %max3A_112 = vector.broadcast %max3A_111 : f32 to vector<16x1xf32>
      %max3A_113 = arith.maximumf %sqrt3A_110, %max3A_112 : vector<16x1xf32>
      %div3A_114 = vector.broadcast %max3A_113 : vector<16x1xf32> to vector<16x128xf32>
      %div3A_115 = arith.divf %select_n3A_105, %div3A_114 : vector<16x128xf32>
      %swap3A_116 = arith.constant 0 : index
      %swap3A_117 = arith.constant 0 : index
      %swap3A_118 = vector.load %arg12[%swap3A_116, %swap3A_117] : memref<16x128xf32, #tpu.memory_space<vmem>>, vector<16x128xf32>
      tpu.vector_store %arg12[%swap3A_116, %swap3A_117], %div3A_115 {strides = array<i32>} : memref<16x128xf32, #tpu.memory_space<vmem>>, vector<16x128xf32>,
    } else {
    }
    return
  }
  func.func @transform_0(%arg0: i32) -> (i32, i32) {
    %c0_i32 = arith.constant 0 : i32
    %c0_i32_0 = arith.constant 0 : i32
    return %arg0, %c0_i32 : i32, i32
  }
  func.func @transform_1(%arg0: i32) -> (i32, i32) {
    %c0_i32 = arith.constant 0 : i32
    %c0_i32_0 = arith.constant 0 : i32
    return %arg0, %c0_i32 : i32, i32
  }
  func.func @transform_2(%arg0: i32) -> (i32, i32) {
    %c0_i32 = arith.constant 0 : i32
    %c0_i32_0 = arith.constant 0 : i32
    return %arg0, %c0_i32 : i32, i32
  }
  func.func @transform_3(%arg0: i32) -> (i32, i32) {
    %c0_i32 = arith.constant 0 : i32
    %c0_i32_0 = arith.constant 0 : i32
    return %arg0, %c0_i32 : i32, i32
  }
  func.func @transform_4(%arg0: i32) -> (i32, i32, i32) {
    %c0_i32 = arith.constant 0 : i32
    %c0_i32_0 = arith.constant 0 : i32
    %c0_i32_1 = arith.constant 0 : i32
    return %arg0, %c0_i32, %c0_i32_0 : i32, i32, i32
  }
  func.func @transform_5(%arg0: i32) -> (i32, i32) {
    %c0_i32 = arith.constant 0 : i32
    %c0_i32_0 = arith.constant 0 : i32
    %c0_i32_1 = arith.constant 0 : i32
    return %c0_i32, %c0_i32_0 : i32, i32
  }
  func.func @transform_6(%arg0: i32) -> (i32, i32) {
    %c0_i32 = arith.constant 0 : i32
    %c0_i32_0 = arith.constant 0 : i32
    %c0_i32_1 = arith.constant 0 : i32
    return %c0_i32, %c0_i32_0 : i32, i32
  }
  func.func @transform_7(%arg0: i32) -> (i32, i32) {
    %c0_i32 = arith.constant 0 : i32
    %c0_i32_0 = arith.constant 0 : i32
    %c0_i32_1 = arith.constant 0 : i32
    return %c0_i32, %c0_i32_0 : i32, i32
  }
  func.func @transform_8(%arg0: i32) -> (i32, i32) {
    %c0_i32 = arith.constant 0 : i32
    %c0_i32_0 = arith.constant 0 : i32
    %c0_i32_1 = arith.constant 0 : i32
    return %c0_i32, %c0_i32_0 : i32, i32
  }
  func.func @transform_9(%arg0: i32) -> (i32, i32) {
    %c0_i32 = arith.constant 0 : i32
    %c0_i32_0 = arith.constant 0 : i32
    %c0_i32_1 = arith.constant 0 : i32
    return %c0_i32, %c0_i32_0 : i32, i32
  }
  func.func @transform_10(%arg0: i32) -> (i32, i32) {
    %c0_i32 = arith.constant 0 : i32
    %c0_i32_0 = arith.constant 0 : i32
    %c0_i32_1 = arith.constant 0 : i32
    return %c0_i32, %c0_i32_0 : i32, i32
  }
  func.func @transform_11(%arg0: i32) -> (i32, i32) {
    %c0_i32 = arith.constant 0 : i32
    %c0_i32_0 = arith.constant 0 : i32
    %c0_i32_1 = arith.constant 0 : i32
    return %c0_i32, %c0_i32_0 : i32, i32
  }
}

</mosaic_0001>

<sc_bundles>
// kernel: kernel.5.cloned.1.call-start
scs
__scs_entry_jumppad:
0x0: {  	(pc) =	sbr.rel $0x88, $3  }
0x1: {  	(tag) =	ssettag $0x0;
	lr =	simm.s32 $0x1  }
0x2: {  	[smem:$0x3F98] =	sst lr;
	_ =	strace $0xD0000000  }
0x3: {  	_ = 	snop  }
0x4: {  	_ = 	snop  }
0x5: {  	_ = 	snop  }
0x6: {  	_ = 	snop  }
0x7: {  	_ = 	snop  }
__scs_overlays_trampoline_lowered:
0x8: {  	[smem:$0x3FA7] =	sst s0  }
0x9: {  	[smem:$0x3FA8] =	sst s1  }
0xa: {  	[smem:$0x3FA9] =	sst s2  }
0xb: {  	[smem:$0x3FAA] =	sst s3  }
0xc: {  	[smem:$0x3FAB] =	sst s4  }
0xd: {  	[smem:$0x3FAC] =	sst s5  }
0xe: {  	[smem:$0x3FAD] =	sst s6  }
0xf: {  	[smem:$0x3FAE] =	sst s7  }
0x10: {  	[smem:$0x3FAF] =	sst s8  }
0x11: {  	[smem:$0x3FB0] =	sst s9;
	s0 =	simm.s32 @!p0 $0x0  }
0x12: {  	s1 =	sld [smem:$0x3F96];
	s0 =	simm.s32 @p0 $0x1  }
0x13: {  	[smem:$0x3FB1] =	sst s0;
	s0 =	simm.s32 @!p1 $0x0  }
0x14: {  	s2 =	sld [smem:$0x3F95];
	s0 =	simm.s32 @p1 $0x1  }
0x15: {  	[smem:$0x3FB2] =	sst s0;
	s0 =	simm.s32 @!p2 $0x0  }
0x16: {  	s3 =	sld [smem:$0x3FDB];
	s0 =	simm.s32 @p2 $0x1  }
0x17: {  	s4 =	simm.s32 $0x1BF5;
	[smem:$0x3FB4] =	sst s0  }
0x18: {  	s0 =	sld [smem:$0x3F97];
	_ =	swait.ge [sflag:s4], $0x0  }
0x19: {  	s7 =	sld [smem:$0x3F98]  }
0x1a: {  	s8 =	sadd.s32 $0xFFFFE003, lr  }
0x1b: {  	s9 =	sadd.s32 $0xFFFFFEF7, lr;
	s5 =	simm.s32 $0xFFFFFFFF;
	p2 =	slt.u32 s8, $0xFFFFF086  }
0x1c: {  	p1 =	slt.u32 s9, $0xF7A;
	s5 =	simm.s32 @!p2 $0x0  }
0x1d: {  	s5 =	simm.s32 @p1 $0x1;
	p0 =	seq.s32 s7, s2  }
0x1e: {  	s7 =	smul.u32 @!p0 $0xF7A, s2;
	p2 =	seq.s32 @!p0 s5, $0x0  }
0x1f: {  	s9 =	smul.u32 $0xF7A, s1;
	s8 =	simm.s32 @!p0 $0x1BF5;
	p2 =	por !p2, p0  }
0x20: {  	[sflag:s8] =	ssyncset.s32 @!p0 $0xFFFFF086;
	s6 =	sadd.s32 @!p0 s3, s7;
	s7 =	simm.s32 @!p0 $0x108  }
0x21: {  	s3 =	sadd.s32 s3, s9;
	s6 =	sadd.s32 @!p0 $0x88, s6;
	s7 =	simm.s32 @p2 $0x1082  }
0x22: {  	[simem:s7], [sflag:s8] =	dma.local @!p0 [hbm:s6], $0xF7A  }
0x23: {  	s9 =	sor.u32 $0xD0000000, s2;
	s6 =	simm.s32 $0x108;
	_ =	swait.ge @!p0 [sflag:s8], $0x0  }
0x24: {  	s3 =	sadd.s32 $0x88, s3;
	s6 =	simm.s32 @!p1 $0x1082;
	[sflag:s4] =	ssyncset.s32 $0xFFFFF086  }
0x25: {  	[simem:s6], [sflag:s4] =	dma.local [hbm:s3], $0xF7A  }
0x26: {  	[smem:$0x3F98] =	sst s1;
	(tag) =	ssettag s2;
	_ =	strace s9  }
0x27: {  	s1 =	sld [smem:$0x3FA8]  }
0x28: {  	s2 =	sld [smem:$0x3FA9]  }
0x29: {  	s4 =	sld [smem:$0x3FAB]  }
0x2a: {  	p0 =	seq.s32 s5, $0x0;
	s5 =	sld [smem:$0x3FAC]  }
0x2b: {  	s6 =	sld [smem:$0x3FAD]  }
0x2c: {  	s7 =	sld [smem:$0x3FAE]  }
0x2d: {  	s3 =	simm.s32 $0x108;
	s8 =	sld [smem:$0x3FAF]  }
0x2e: {  	s3 =	simm.s32 @!p0 $0x1082;
	s9 =	sld [smem:$0x3FB0]  }
0x2f: {  	lr =	sadd.s32 s0, s3;
	s0 =	sld [smem:$0x3FA7]  }
0x30: {  	s3 =	sld [smem:$0x3FAA]  }
0x31: {  	[smem:$0x3FB3] =	sst s10  }
0x32: {  	s10 =	sld [smem:$0x3FB1];
	_ =	sdelay $0x3  }
0x33: {  	p0 =	seq.s32 s10, $0x1;
	s10 =	sld [smem:$0x3FB3];
	_ =	sdelay $0x3  }
0x34: {  	[smem:$0x3FB3] =	sst s10  }
0x35: {  	s10 =	sld [smem:$0x3FB2];
	_ =	sdelay $0x3  }
0x36: {  	p1 =	seq.s32 s10, $0x1;
	s10 =	sld [smem:$0x3FB3];
	_ =	sdelay $0x3  }
0x37: {  	[smem:$0x3FB3] =	sst s10  }
0x38: {  	s10 =	sld [smem:$0x3FB4]  }
0x39: {  	_ = 	snop;
	(pc) =	sbr.ind lr, $3  }
0x3a: {  	_ = 	snop  }
0x3b: {  	_ = 	snop  }
0x3c: {  	p2 =	seq.s32 s10, $0x1;
	s10 =	sld [smem:$0x3FB3]  }
0x3d: {  	_ =	shalt  }
0x3e: {  	_ =	shalt  }
0x3f: {  	_ =	shalt  }
0x40: {  	_ =	shalt  }
0x41: {  	_ =	shalt  }
0x42: {  	_ =	shalt  }
0x43: {  	_ =	shalt  }
0x44: {  	_ =	shalt  }
0x45: {  	_ =	shalt  }
0x46: {  	_ =	shalt  }
0x47: {  	_ =	shalt  }
0x48: {  	_ =	shalt  }
0x49: {  	_ =	shalt  }
0x4a: {  	_ =	shalt  }
0x4b: {  	_ =	shalt  }
0x4c: {  	_ =	shalt  }
0x4d: {  	_ =	shalt  }
0x4e: {  	_ =	shalt  }
0x4f: {  	_ =	shalt  }
0x50: {  	_ =	shalt  }
0x51: {  	_ =	shalt  }
0x52: {  	_ =	shalt  }
0x53: {  	_ =	shalt  }
0x54: {  	_ =	shalt  }
0x55: {  	_ =	shalt  }
0x56: {  	_ =	shalt  }
0x57: {  	_ =	shalt  }
0x58: {  	_ =	shalt  }
0x59: {  	_ =	shalt  }
0x5a: {  	_ =	shalt  }
0x5b: {  	_ =	shalt  }
0x5c: {  	_ =	shalt  }
0x5d: {  	_ =	shalt  }
0x5e: {  	_ =	shalt  }
0x5f: {  	_ =	shalt  }
0x60: {  	_ =	shalt  }
0x61: {  	_ =	shalt  }
0x62: {  	_ =	shalt  }
0x63: {  	_ =	shalt  }
0x64: {  	_ =	shalt  }
0x65: {  	_ =	shalt  }
0x66: {  	_ =	shalt  }
0x67: {  	_ =	shalt  }
0x68: {  	_ =	shalt  }
0x69: {  	_ =	shalt  }
0x6a: {  	_ =	shalt  }
0x6b: {  	_ =	shalt  }
0x6c: {  	_ =	shalt  }
0x6d: {  	_ =	shalt  }
0x6e: {  	_ =	shalt  }
0x6f: {  	_ =	shalt  }
0x70: {  	_ =	shalt  }
0x71: {  	_ =	shalt  }
0x72: {  	_ =	shalt  }
0x73: {  	_ =	shalt  }
0x74: {  	_ =	shalt  }
0x75: {  	_ =	shalt  }
0x76: {  	_ =	shalt  }
0x77: {  	_ =	shalt  }
0x78: {  	_ =	shalt  }
0x79: {  	_ =	shalt  }
0x7a: {  	_ =	shalt  }
0x7b: {  	_ =	shalt  }
0x7c: {  	_ =	shalt  }
0x7d: {  	_ =	shalt  }
0x7e: {  	_ =	shalt  }
0x7f: {  	_ =	shalt  }
0x80: {  	_ =	shalt  }
0x81: {  	_ =	shalt  }
0x82: {  	_ =	shalt  }
0x83: {  	_ =	shalt  }
0x84: {  	_ =	shalt  }
0x85: {  	_ =	shalt  }
0x86: {  	_ =	shalt  }
0x87: {  	_ =	shalt  }
.Lfunc_end0:
.L_simem_size_0:
called_computation_lowered:
.L_overlay_start_0:
0x88: {  	s2 =	sld [smem:$0x3FD9]  }
0x89: {  	s3 =	sld [smem:$0x3FFE];
	_ =	sdelay $0x1  }
0x8a: {  	s1 =	srdreg.scid  }
0x8b: {  	s0 =	sand.u32 $0x1, s1  }
0x8c: {  	s16 =	sshll.u32 s0, $0xA;
	s2 =	sadd.s32 s3, s2  }
0x8d: {  	s2 =	sadd.s32 s2, s16  }
0x8e: {  	[smem:$0x3FBF] =	sst s2  }
0x8f: {  	_ = 	snop  }
0x90: {  	(tm) =	ssettm $0x1  }
0x91: {  	s17 =	sld [smem:$0x3FFB];
	_ =	sdelay $0x3  }
0x92: {  	_ =	strace s17  }
0x93: {  	s2 =	sld [smem:$0x3FFC];
	_ =	sdelay $0x3  }
0x94: {  	_ =	strace s2  }
0x95: {  	s2 =	sld [smem:$0x3FFD];
	_ =	sdelay $0x3  }
0x96: {  	_ =	strace s2  }
0x97: {  	_ =	strace $0x8FFFFFFF  }
0x98: {  	s18 =	sld [smem:$0x3FDB];
	_ =	sdelay $0x1  }
0x99: {  	s19 =	simm.s32 $_scs_section_size  }
0x9a: {  	s4 =	simm.s32 $_size__tile_overlayer_lowered;
	s5 =	simm.s32 $_tile_overlayer_lowered  }
0x9b: {  	s22 =	simm.s32 $0x1BFF;
	s21 =	sshll.u32 s5, $0x1;
	s2 =	sadd.s32 s19, s18  }
0x9c: {  	s6 =	simm.s32 $0x0;
	s20 =	sshll.u32 s4, $0x1;
	s4 =	sadd.s32 s21, s2  }
0x9d: {  	[timem:s6], [sflag:s22] =	dma.local [hbm:s4], s20  }
0x9e: {  	_ =	swait.ge [sflag:s22], s20  }
0x9f: {  	s3 =	ssub.s32 $0x0, s20;
	[sflag:s22] =	ssyncset.done $0x0  }
0xa0: {  	[sflag:s22] =	ssyncadd.s32 s3;
	_ =	sdelay $0x1  }
0xa1: {  	s23 =	simm.s32 $0x1B8B  }
0xa2: {  	_ =	swait.ge [sflag:s23], $0x1  }
0xa3: {  	[sflag:s23] =	ssyncset.done $0x0  }
0xa4: {  	s25 =	simm.s32 $0x1B8E;
	s24 =	sld [smem:$0x3FFE];
	[sflag:s23] =	ssyncadd.s32 $0xFFFFFFFF  }
0xa5: {  	s26 =	simm.s32 $execute0_lowered;
	[smem:$0x3FD2] =	sst s25  }
0xa6: {  	s4 =	sshll.u32 s26, $0x1;
	_ =	strace $0x80000046;
	[dreg:$0x1] =	wrdreg $0xFFFFFFFF  }
0xa7: {  	s28 =	simm.s32 $_size_execute0_lowered;
	s2 =	sadd.s32 s2, s4;
	[dreg:$0x0] =	wrdreg $0x0  }
0xa8: {  	s4 =	sshll.u32 s28, $0x1;
	[dreg:$0x2] =	wrdreg s2  }
0xa9: {  	[dreg:$0x3] =	wrdreg s4  }
0xaa: {  	[dreg:$0x4] =	wrdreg $0xC0  }
0xab: {  	_ =	task [dreg:s6], $0x5FFFF  }
0xac: {  	[dreg:$0x1] =	wrdreg $0xFFFFFFFF  }
0xad: {  	[dreg:$0x0] =	wrdreg $0x60  }
0xae: {  	[dreg:$0x2] =	wrdreg s24  }
0xaf: {  	[dreg:$0x3] =	wrdreg $0xA0000  }
0xb0: {  	[dreg:$0x4] =	wrdreg $0x9  }
0xb1: {  	_ =	task.clear_ibuf [dreg:s6], $0x5FFFF;
	_ =	strace $0x90000046  }
0xb2: {  	s29 =	simm.s32 $0x9;
	_ =	strace $0x80000048  }
0xb3: {  	_ =	swait.ge [sflag:s29], $0x1  }
0xb4: {  	[sflag:s29] =	ssyncadd.s32 $0xFFFFFFFF  }
0xb5: {  	_ =	strace $0x90000048  }
0xb6: {  	_ =	sfence  }
0xb7: {  	s30 =	sld [smem:$0x0];
	_ =	sdelay $0x2  }
0xb8: {  	s31 =	sshll.u32 s1, $0xD;
	s1 =	sshrl.u32 s1, $0x2  }
0xb9: {  	s3 =	sand.u32 $0x4000, s31;
	s1 =	sadd.s32 s1, s30  }
0xba: {  	s0 =	sor.u32 s3, s0;
	s1 =	sshll.u32 s1, $0x11  }
0xbb: {  	s0 =	sor.u32 s1, s0  }
0xbc: {  	s0 =	sadd.s32 $0x8F2B, s0  }
0xbd: {  	[sflag:s0] =	ssyncadd.remote.s32 $0x1  }
0xbe: {  	_ =	sfence.sel $0xFFFF  }
0xbf: {  	[dreg:$0x0] =	wrdreg $0xFFFFFFFF;
	(pc) =	sbr.abs _section_cstart, $3  }
0xc0: {  	[dreg:$0x1] =	wrdreg $0xFFFFFFFF  }
0xc1: {  	_ =	task.clear_ibuf [dreg:s6], $0x2FFFF;
	_ =	strace $0x9FFFFFFF  }
0xc2: {  	(tm) =	ssettm $0x7FFFFFFF  }
0xc3: {  	_ =	shalt  }
tec
execute0_lowered:
.L_overlay_start_1:
0x0: {  	(tag) =	ssettag $0x1  }
0x1: {  	s0 =	srdreg.scid;
	s5 =	rddreg [dreg:$0x0]  }
0x2: {  	s2 =	rddreg [dreg:$0x1];
	s1 =	stileid.u32;
	s3 =	simm.s32 $0x0  }
0x3: {  	s24 =	simm.s32 $0x80;
	s26 =	simm.s32 $0x7800;
	s28 =	simm.s32 $0x400  }
0x4: {  	s25 =	sand.u32 $0x1, s0;
	[smem:$0x7FF] =	sst s3;
	s30 =	smul.u32 $0x50000, s1  }
0x5: {  	s7 =	sshll.u32 s1, $0x7;
	s12 =	sadd.s32 $0x33A00, s5;
	s14 =	smul.u32 $0x14000, s1  }
0x6: {  	s13 =	sadd.s32 $0x29200, s5;
	s18 =	sadd.s32 $0x3E200, s5;
	s31 =	smul.u32 $0x38, s1  }
0x7: {  	s4 =	sshll.u32 s25, $0x4;
	_ =	strace $0x80000047;
	s7 =	sand.u32 $0x380, s7  }
0x8: {  	s8 =	ssub.s32 $0x2, s25;
	p0 =	seq.s32 s25, $0x0;
	s23 =	smul.u32 $0x140000, s25  }
0x9: {  	s4 =	sor.u32 s1, s4;
	s9 =	sshrl.u32 s8, $0x1;
	s15 =	sadd.s32 $0x4000, s14  }
0xa: {  	s16 =	sadd.s32 $0x8000, s14;
	s17 =	sadd.s32 $0xC000, s14;
	s10 =	sadd.s32 $0x680, s31  }
0xb: {  	s21 =	sadd.s32 $0x10000, s14;
	s4 =	sshrl.u32 s4, $0x3;
	s20 =	ssub.s32 s8, s9  }
0xc: {  	s9 =	smul.u32 $0x68, s1;
	s8 =	sadd.s32 s17, s2;
	s14 =	sadd.s32 s14, s23  }
0xd: {  	s17 =	sadd.s32 s23, s17;
	s6 =	smul.u32 $0x14000, s4;
	s4 =	sadd.s32 $0x2000, s5  }
0xe: {  	s14 =	sshrl.u32 s14, $0x3;
	s17 =	sshrl.u32 s17, $0x3;
	s20 =	smax.u32 s20, $0x1  }
0xf: {  	s10 =	smov.u32 @p0 s9;
	s9 =	sadd.s32 s21, s2;
	s14 =	sadd.s32 s18, s14  }
0x10: {  	s21 =	sadd.s32 s23, s21;
	s17 =	sadd.s32 s18, s17;
	p0 =	sne.s32 s25, $0x0  }
0x11: {  	s25 =	simm.s32 $0x1;
	s6 =	sor.u32 s7, s6;
	s7 =	sshrl.u32 s30, $0x2  }
0x12: {  	s22 =	sshll.u32 s10, $0x4;
	s21 =	sshrl.u32 s21, $0x3;
	s6 =	sshrl.u32 s6, $0x3  }
0x13: {  	s10 =	sadd.s32 s12, s22;
	s11 =	sadd.s32 s13, s22;
	s22 =	sadd.s32 $0x380, s22  }
0x14: {  	s19 =	sadd.s32 s6, s5;
	s5 =	sadd.s32 s7, s2;
	s6 =	sadd.s32 s15, s2  }
.Ltmp0:
0x15: {  	s7 =	sadd.s32 s16, s2;
	s12 =	sadd.s32 s12, s22;
	(pc) =	sbr.rel .LBB2_1-.Ltmp0, $4  }
0x16: {  	s15 =	sadd.s32 s23, s15;
	s13 =	sadd.s32 s13, s22;
	s16 =	sadd.s32 s23, s16  }
0x17: {  	s22 =	simm.s32 $0x2;
	s23 =	simm.s32 $0x1C00;
	s15 =	sshrl.u32 s15, $0x3  }
0x18: {  	s16 =	sshrl.u32 s16, $0x3;
	s19 =	sadd.s32 $0x8E200, s19;
	s15 =	sadd.s32 s18, s15  }
0x19: {  	v0 =	vimm.f32 $0.0e+00;
	v1 =	vimm.f32 $1.000000000e+00;
	s16 =	sadd.s32 s18, s16;
	s18 =	sadd.s32 s18, s21;
	s21 =	simm.s32 $0x3800  }
.LBB2_9:
0x1a: {  	s0 =	sshll.u32 s1, $0x6  }
0x1b: {  	[bflag:$0x0] =	sbarrier.arrive $0xFFFF;
	s29 =	sshrl.u32 s5, $0x3;
	s0 =	sor.u32 $0x1C02, s0  }
0x1c: {  	[hbm:s14], [sflag:s0] =	dma.local [spmem:s29], $0x800  }
0x1d: {  	_ =	swait.ge [sflag:s22], $0x800  }
0x1e: {  	[sflag:s22] =	ssyncset.done $0x0  }
0x1f: {  	s30 =	sshrl.u32 s6, $0x3;
	[sflag:s22] =	ssyncadd.s32 $0xFFFFF800  }
0x20: {  	[hbm:s15], [sflag:s0] =	dma.local [spmem:s30], $0x800  }
0x21: {  	_ =	swait.ge [sflag:s22], $0x800  }
0x22: {  	[sflag:s22] =	ssyncset.done $0x0  }
0x23: {  	s31 =	sshrl.u32 s7, $0x3;
	[sflag:s22] =	ssyncadd.s32 $0xFFFFF800  }
0x24: {  	[hbm:s16], [sflag:s0] =	dma.local [spmem:s31], $0x800  }
0x25: {  	_ =	swait.ge [sflag:s22], $0x800  }
0x26: {  	[sflag:s22] =	ssyncset.done $0x0  }
0x27: {  	s30 =	sshrl.u32 s8, $0x3;
	[sflag:s22] =	ssyncadd.s32 $0xFFFFF800  }
0x28: {  	[hbm:s17], [sflag:s0] =	dma.local [spmem:s30], $0x800  }
0x29: {  	_ =	swait.ge [sflag:s22], $0x800  }
0x2a: {  	[sflag:s22] =	ssyncset.done $0x0  }
0x2b: {  	s31 =	sshrl.u32 s9, $0x3;
	[sflag:s22] =	ssyncadd.s32 $0xFFFFF800  }
0x2c: {  	[hbm:s18], [sflag:s0] =	dma.local [spmem:s31], $0x800  }
0x2d: {  	s3 =	sadd.s32 $0x1, s3;
	_ =	swait.ge [sflag:s22], $0x800  }
0x2e: {  	p1 =	sne.s32 s3, s20;
	[sflag:s22] =	ssyncset.done $0x0  }
.Ltmp1:
0x2f: {  	[sflag:s22] =	ssyncadd.s32 $0xFFFFF800;
	(pc) =	sbr.rel @!p1 .LBB2_10-.Ltmp1, $4  }
0x30: {  	[hbm4b:s19+s24] =	stream.strided.scatter [tilespmem:s26], [sflag:$0x2], $0x2800, s28, s24, $0x38;
	[tilespmem:$0x1E000] =	vst v63  }
0x31: {  	_ =	swait.ge [sflag:s22], $0x2800  }
0x32: {  	[sflag:s22] =	ssyncset.done $0x0  }
0x33: {  	[sflag:s22] =	ssyncadd.s32 $0xFFFFD800  }
.LBB2_1:
0x34: {  	s29 =	simm.s32 $0x0  }
.LBB2_2:
0x35: {  	p1 =	sne.s32 s29, $0x9FC0  }
.Ltmp2:
0x36: {  	_ = 	snop;
	(pc) =	sbr.rel @p1 .LBB2_2-.Ltmp2, $3  }
0x37: {  	_ =	sdelay $0x1  }
0x38: {  	s30 =	sshra.s32 s29, $0x2  }
0x39: {  	s29 =	sadd.s32 $0x40, s29;
	[tilespmem:s30+$0x7800] =	vst v0  }
0x3a: {  	s29 =	simm.s32 $0x0  }
0x3b: {  	s30 =	sand.u32 $0xFE00, s29  }
0x3c: {  	s31 =	sand.u32 $0x70, s29;
	s0 =	sshrl.u32 s30, $0x2  }
0x3d: {  	s30 =	simm.s32 $0x40;
	s31 =	sor.u32 s31, s0  }
.LBB2_4:
0x3e: {  	p1 =	sne.s32 s30, $0xFFC0  }
0x3f: {  	[tilespmem:s31+$0x3800] =	vst v0;
	s29 =	sadd.s32 $0x10, s29;
	s0 =	smov.u32 s30;
	s30 =	sadd.s32 $0x40, s30  }
.Ltmp3:
0x40: {  	(pc) =	sbr.rel @p1 .LBB2_4-.Ltmp3, $4  }
0x41: {  	_ = 	snop  }
0x42: {  	s0 =	sand.u32 $0xFE00, s0  }
0x43: {  	s31 =	sand.u32 $0x70, s29;
	s0 =	sshrl.u32 s0, $0x2  }
0x44: {  	s31 =	sor.u32 s31, s0  }
0x45: {  	[tilespmem:s31+$0x3800] =	vst v0  }
0x46: {  	[spmem:s5] =	stream.linear.scatter [tilespmem:s21], [sflag:$0x2], $0x4000, $0x38;
	[tilespmem:$0x1E000] =	vst v63  }
0x47: {  	_ =	swait.ge [sflag:s22], $0x4000  }
0x48: {  	[sflag:s22] =	ssyncset.done $0x0  }
0x49: {  	[sflag:s22] =	ssyncadd.s32 $0xFFFFC000  }
0x4a: {  	[spmem:s6] =	stream.linear.scatter [tilespmem:s21], [sflag:$0x2], $0x4000, $0x38;
	[tilespmem:$0x1E000] =	vst v63  }
0x4b: {  	_ =	swait.ge [sflag:s22], $0x4000  }
0x4c: {  	[sflag:s22] =	ssyncset.done $0x0  }
0x4d: {  	[sflag:s22] =	ssyncadd.s32 $0xFFFFC000  }
0x4e: {  	[spmem:s7] =	stream.linear.scatter [tilespmem:s21], [sflag:$0x2], $0x4000, $0x38;
	[tilespmem:$0x1E000] =	vst v63  }
0x4f: {  	_ =	swait.ge [sflag:s22], $0x4000  }
0x50: {  	[sflag:s22] =	ssyncset.done $0x0  }
0x51: {  	[sflag:s22] =	ssyncadd.s32 $0xFFFFC000  }
0x52: {  	[spmem:s8] =	stream.linear.scatter [tilespmem:s21], [sflag:$0x2], $0x4000, $0x38;
	[tilespmem:$0x1E000] =	vst v63  }
0x53: {  	_ =	swait.ge [sflag:s22], $0x4000  }
0x54: {  	[sflag:s22] =	ssyncset.done $0x0  }
0x55: {  	[sflag:s22] =	ssyncadd.s32 $0xFFFFC000  }
0x56: {  	[spmem:s9] =	stream.linear.scatter [tilespmem:s21], [sflag:$0x2], $0x4000, $0x38;
	[tilespmem:$0x1E000] =	vst v63  }
0x57: {  	_ =	swait.ge [sflag:s22], $0x4000  }
0x58: {  	[sflag:s22] =	ssyncset.done $0x0  }
0x59: {  	[sflag:s22] =	ssyncadd.s32 $0xFFFFC000  }
0x5a: {  	s29 =	simm.s32 $0x0;
	[bflag:$0x0] =	sbarrier.arrive $0xFFFF  }
0x5b: {  	[tilespmem:s29], [sflag:$0x2] =	stream.linear.gather [hbm4b:s10+s29], $0x1C00, $0x38;
	[tilespmem:$0x1E000] =	vst v63  }
0x5c: {  	_ =	swait.ge [sflag:s22], $0x1C00  }
0x5d: {  	[sflag:s22] =	ssyncset.done $0x0  }
0x5e: {  	[sflag:s22] =	ssyncadd.s32 $0xFFFFE400  }
0x5f: {  	[tilespmem:s23], [sflag:$0x2] =	stream.linear.gather [hbm4b:s11+s29], $0x1C00, $0x38;
	[tilespmem:$0x1E000] =	vst v63  }
0x60: {  	_ =	swait.ge [sflag:s22], $0x1C00  }
0x61: {  	[sflag:s22] =	ssyncset.done $0x0  }
0x62: {  	[sflag:s22] =	ssyncadd.s32 $0xFFFFE400  }
.LBB2_6:
0x63: {  	s0 =	sshra.s32 s29, $0x2  }
0x64: {  	[tilespmem:s21], [sflag:$0x1] =	stream.indirect.gather [hbm4b:s4+s24], $0x80, s0, s24, $0xb8;
	[tilespmem:$0x1E000] =	vst v63  }
0x65: {  	_ =	swait.ge [sflag:s25], $0x4000  }
0x66: {  	[sflag:s25] =	ssyncset.done $0x0  }
0x67: {  	[sflag:s25] =	ssyncadd.s32 $0xFFFFC000  }
0x68: {  	v2 =	vld [tilespmem:s0+$0x1C00];
	_ =	sdelay $0x7  }
0x69: {  	[tilespmem:v2+s26+$0x0] =	vst.idx.add.f32.msk $0xffff, v1  }
0x6a: {  	v2 =	vld [tilespmem:s0+$0x1C10];
	_ =	sdelay $0x7  }
0x6b: {  	[tilespmem:v2+s26+$0x0] =	vst.idx.add.f32.msk $0xffff, v1  }
0x6c: {  	v2 =	vld [tilespmem:s0+$0x1C20];
	_ =	sdelay $0x7  }
0x6d: {  	[tilespmem:v2+s26+$0x0] =	vst.idx.add.f32.msk $0xffff, v1  }
0x6e: {  	v2 =	vld [tilespmem:s0+$0x1C30];
	_ =	sdelay $0x7  }
0x6f: {  	[tilespmem:v2+s26+$0x0] =	vst.idx.add.f32.msk $0xffff, v1  }
0x70: {  	v2 =	vld [tilespmem:s0+$0x1C40];
	_ =	sdelay $0x7  }
0x71: {  	[tilespmem:v2+s26+$0x0] =	vst.idx.add.f32.msk $0xffff, v1  }
0x72: {  	v2 =	vld [tilespmem:s0+$0x1C50];
	_ =	sdelay $0x7  }
0x73: {  	[tilespmem:v2+s26+$0x0] =	vst.idx.add.f32.msk $0xffff, v1  }
0x74: {  	v2 =	vld [tilespmem:s0+$0x1C60];
	_ =	sdelay $0x7  }
0x75: {  	[tilespmem:v2+s26+$0x0] =	vst.idx.add.f32.msk $0xffff, v1  }
0x76: {  	v2 =	vld [tilespmem:s0+$0x1C70];
	_ =	sdelay $0x6  }
0x77: {  	p1 =	sne.s32 s29, $0x6E00  }
.Ltmp4:
0x78: {  	s0 =	sadd.s32 $0x1C00, s0;
	[tilespmem:v2+s26+$0x0] =	vst.idx.add.f32.msk $0xffff, v1;
	(pc) =	sbr.rel @p1 .LBB2_6-.Ltmp4, $4  }
0x79: {  	[spmem:s2] =	stream.indirect.scatter.add.f32 [tilespmem:s21], [sflag:$0x2], $0x80, s0, s24, $0xb8;
	[tilespmem:$0x1E000] =	vst v63  }
0x7a: {  	_ =	swait.ge [sflag:s22], $0x4000  }
0x7b: {  	[sflag:s22] =	ssyncset.done $0x0  }
0x7c: {  	s29 =	sadd.s32 $0x200, s29;
	[sflag:s22] =	ssyncadd.s32 $0xFFFFC000  }
0x7d: {  	s29 =	simm.s32 $0x0  }
0x7e: {  	[tilespmem:s29], [sflag:$0x2] =	stream.linear.gather [hbm4b:s12+s29], $0x1800, $0x38;
	[tilespmem:$0x1E000] =	vst v63  }
0x7f: {  	_ =	swait.ge [sflag:s22], $0x1800  }
0x80: {  	[sflag:s22] =	ssyncset.done $0x0  }
.Ltmp5:
0x81: {  	[sflag:s22] =	ssyncadd.s32 $0xFFFFE800;
	(pc) =	sbr.rel @p0 .LBB2_9-.Ltmp5, $4  }
0x82: {  	[tilespmem:s23], [sflag:$0x2] =	stream.linear.gather [hbm4b:s13+s29], $0x1800, $0x38;
	[tilespmem:$0x1E000] =	vst v63  }
0x83: {  	_ =	swait.ge [sflag:s22], $0x1800  }
0x84: {  	[sflag:s22] =	ssyncset.done $0x0  }
0x85: {  	[sflag:s22] =	ssyncadd.s32 $0xFFFFE800  }
.LBB2_8:
0x86: {  	s0 =	sshra.s32 s29, $0x2  }
0x87: {  	[tilespmem:s21], [sflag:$0x1] =	stream.indirect.gather [hbm4b:s4+s24], $0x80, s0, s24, $0xb8;
	[tilespmem:$0x1E000] =	vst v63  }
0x88: {  	_ =	swait.ge [sflag:s25], $0x4000  }
0x89: {  	[sflag:s25] =	ssyncset.done $0x0  }
0x8a: {  	[sflag:s25] =	ssyncadd.s32 $0xFFFFC000  }
0x8b: {  	v2 =	vld [tilespmem:s0+$0x1C00];
	_ =	sdelay $0x7  }
0x8c: {  	[tilespmem:v2+s26+$0x0] =	vst.idx.add.f32.msk $0xffff, v1  }
0x8d: {  	v2 =	vld [tilespmem:s0+$0x1C10];
	_ =	sdelay $0x7  }
0x8e: {  	[tilespmem:v2+s26+$0x0] =	vst.idx.add.f32.msk $0xffff, v1  }
0x8f: {  	v2 =	vld [tilespmem:s0+$0x1C20];
	_ =	sdelay $0x7  }
0x90: {  	[tilespmem:v2+s26+$0x0] =	vst.idx.add.f32.msk $0xffff, v1  }
0x91: {  	v2 =	vld [tilespmem:s0+$0x1C30];
	_ =	sdelay $0x7  }
0x92: {  	[tilespmem:v2+s26+$0x0] =	vst.idx.add.f32.msk $0xffff, v1  }
0x93: {  	v2 =	vld [tilespmem:s0+$0x1C40];
	_ =	sdelay $0x7  }
0x94: {  	[tilespmem:v2+s26+$0x0] =	vst.idx.add.f32.msk $0xffff, v1  }
0x95: {  	v2 =	vld [tilespmem:s0+$0x1C50];
	_ =	sdelay $0x7  }
0x96: {  	[tilespmem:v2+s26+$0x0] =	vst.idx.add.f32.msk $0xffff, v1  }
0x97: {  	v2 =	vld [tilespmem:s0+$0x1C60];
	_ =	sdelay $0x7  }
0x98: {  	[tilespmem:v2+s26+$0x0] =	vst.idx.add.f32.msk $0xffff, v1  }
0x99: {  	v2 =	vld [tilespmem:s0+$0x1C70];
	_ =	sdelay $0x6  }
0x9a: {  	p1 =	sne.s32 s29, $0x5E00  }
.Ltmp6:
0x9b: {  	s0 =	sadd.s32 $0x1C00, s0;
	[tilespmem:v2+s26+$0x0] =	vst.idx.add.f32.msk $0xffff, v1;
	(pc) =	sbr.rel @p1 .LBB2_8-.Ltmp6, $4  }
0x9c: {  	[spmem:s2] =	stream.indirect.scatter.add.f32 [tilespmem:s21], [sflag:$0x2], $0x80, s0, s24, $0xb8;
	[tilespmem:$0x1E000] =	vst v63  }
0x9d: {  	_ =	swait.ge [sflag:s22], $0x4000  }
0x9e: {  	[sflag:s22] =	ssyncset.done $0x0  }
0x9f: {  	s29 =	sadd.s32 $0x200, s29;
	[sflag:s22] =	ssyncadd.s32 $0xFFFFC000  }
.Ltmp7:
0xa0: {  	_ = 	snop;
	(pc) =	sbr.rel .LBB2_9-.Ltmp7, $1  }
0xa1: {  	_ =	sdelay $0x3  }
.LBB2_10:
0xa2: {  	_ =	sfence.sel $0x180000  }
0xa3: {  	[bflag:$0x0] =	sbarrier.arrive $0xFFFF  }
0xa4: {  	_ =	strace $0x90000047  }
0xa5: {  	[bflag:$0x2] =	sbarrier.arrive $0xFFFF  }
0xa6: {  	p0 =	sne.s32 s1, $0x0;
	s0 =	rddreg [dreg:$0x2]  }
0xa7: {  	s0 =	sadd.s32 @!p0 $0x100000, s0  }
0xa8: {  	[sflag:s0] =	ssyncadd.tile.s32 @!p0 $0x1;
	_ =	shalt  }
.Lfunc_end2:
_tile_overlayer_lowered:
.L_overlay_start_2:
0xa9: {  	(tag) =	ssettag $0x2  }
0xaa: {  	s0 =	rddreg [dreg:$0x0];
	s2 =	stileid.u32  }
0xab: {  	s1 =	rddreg [dreg:$0x1];
	p0 =	sne.s32 s2, $0x0  }
0xac: {  	s3 =	rddreg [dreg:$0x2];
	[bflag:$0x3] =	sbarrier.arrive $0xFFFF;
	s2 =	simm.s32 @!p0 $0x1C02  }
0xad: {  	[timem:s3], [sflag:s2] =	dma.local @!p0 [hbm:s0], s1  }
0xae: {  	s0 =	simm.s32 @!p0 $0x2  }
0xaf: {  	_ =	swait.ge @!p0 [sflag:s0], s1  }
0xb0: {  	s1 =	ssub.s32 @!p0 $0x0, s1;
	[sflag:s0] =	ssyncset.done @!p0 $0x0  }
0xb1: {  	[sflag:s0] =	ssyncadd.s32 @!p0 s1  }
0xb2: {  	[bflag:$0x3] =	sbarrier.arrive $0xFFFF  }
0xb3: {  	_ =	shalt  }

</sc_bundles>
